<compile_context>
chip_gen: v7x
topology: tpu7x:2x2x1
jax: 0.10.2.dev20260603
libtpu: 0.0.44.dev20260713+nightly
codegen_flags: <defaults>
</compile_context>

<pallas_src>
import functools

import jax
import jax.numpy as jnp
from jax import lax
from jax.experimental import pallas as pl
from jax.experimental.pallas import tpu as pltpu, tpu_sc as plsc

N = 10000
E = 160000
C = 16
RBF = 16
RMAX = 10.0
G = 64
FC = 32

NC = 2
NS = 16
NW = NC * NS
CH = 128
NCH = 40
NB = 4
EPW = NCH * CH
E_PAD = NW * EPW
RP = E_PAD // 8
RPW = EPW // 8
RPC = CH // 8
N_ACC = 10240
STRIPE = N_ACC // NS

_SH0 = 0.28209479177387814
_SQRT_AVG = 4.0
_LOG2 = 0.6931471805599453



@functools.lru_cache(maxsize=None)
def _make_sc_gather():
    mesh = plsc.VectorSubcoreMesh(core_axis_name="c", subcore_axis_name="s")

    @functools.partial(
        pl.kernel,
        mesh=mesh,
        out_type=jax.ShapeDtypeStruct((E_PAD, C), jnp.float32),
        scratch_types=[pltpu.VMEM((NCH, CH), jnp.int32)]
        + [pltpu.VMEM((CH, C), jnp.float32) for _ in range(NB)]
        + [pltpu.SemaphoreType.DMA for _ in range(2 * NB)],
        compiler_params=pltpu.CompilerParams(use_tc_tiling_on_sc=False),
    )
    def _sc_gather(x_hbm, src_hbm, out_hbm, idx_v, *bufs_sems):
        rows = bufs_sems[:NB]
        gsem = bufs_sems[NB:2 * NB]
        wsem = bufs_sems[2 * NB:]
        wid = lax.axis_index("s") * NC + lax.axis_index("c")
        pltpu.sync_copy(src_hbm.at[wid], idx_v)

        def g_start(j, b):
            pltpu.async_copy(x_hbm.at[idx_v.at[j]], rows[b], gsem[b])

        def w_start(j, b):
            pltpu.async_copy(
                rows[b], out_hbm.at[pl.ds(wid * EPW + j * CH, CH)], wsem[b])

        for b in range(NB):
            g_start(b, b)

        def body(jj, _):
            for b in range(NB):
                j = jj * NB + b
                pltpu.make_async_copy(x_hbm.at[idx_v.at[j]], rows[b],
                                      gsem[b]).wait()
                w_start(j, b)
            for b in range(NB):
                j2 = (jj + 1) * NB + b

                @pl.when(j2 < NCH)
                def _():
                    pltpu.make_async_copy(
                        rows[b], out_hbm.at[pl.ds(wid * EPW + j2 * CH, CH)],
                        wsem[b]).wait()
                    g_start(j2, b)
            return _

        lax.fori_loop(0, NCH // NB, body, None)
        for b in range(NB):
            j = NCH - NB + b
            pltpu.make_async_copy(
                rows[b], out_hbm.at[pl.ds(wid * EPW + j * CH, CH)],
                wsem[b]).wait()

    return _sc_gather


@functools.lru_cache(maxsize=None)
def _make_sc_scatter():
    mesh = plsc.VectorSubcoreMesh(core_axis_name="c", subcore_axis_name="s")

    @functools.partial(
        pl.kernel,
        mesh=mesh,
        out_type=jax.ShapeDtypeStruct((NC, N_ACC, C), jnp.float32),
        scratch_types=[
            pltpu.VMEM((NCH, CH), jnp.int32),
            pltpu.VMEM_SHARED((N_ACC, C), jnp.float32),
        ]
        + [pltpu.VMEM((CH, C), jnp.float32) for _ in range(NB)]
        + [pltpu.SemaphoreType.DMA for _ in range(2 * NB)],
        compiler_params=pltpu.CompilerParams(use_tc_tiling_on_sc=False),
    )
    def _sc_scatter(msgs_hbm, dst_hbm, zeros_hbm, out_hbm, idx_v, acc,
                    *bufs_sems):
        stage = bufs_sems[:NB]
        lsem = bufs_sems[NB:2 * NB]
        ssem = bufs_sems[2 * NB:]
        cid = lax.axis_index("c")
        sid = lax.axis_index("s")
        wid = sid * NC + cid
        pltpu.sync_copy(zeros_hbm.at[pl.ds(sid * STRIPE, STRIPE)],
                        acc.at[pl.ds(sid * STRIPE, STRIPE)])
        pltpu.sync_copy(dst_hbm.at[wid], idx_v)
        plsc.subcore_barrier()

        def l_start(j, b):
            pltpu.async_copy(
                msgs_hbm.at[pl.ds(wid * EPW + j * CH, CH)], stage[b], lsem[b])

        for b in range(NB):
            l_start(b, b)

        def body(jj, _):
            for b in range(NB):
                j = jj * NB + b
                pltpu.make_async_copy(
                    msgs_hbm.at[pl.ds(wid * EPW + j * CH, CH)],
                    stage[b], lsem[b]).wait()
                pltpu.async_copy(stage[b], acc.at[idx_v.at[j]], ssem[b],
                                 add=True)
            for b in range(NB):
                j2 = (jj + 1) * NB + b

                @pl.when(j2 < NCH)
                def _():
                    pltpu.make_async_copy(stage[b], acc.at[idx_v.at[j2]],
                                          ssem[b]).wait()
                    l_start(j2, b)
            return _

        lax.fori_loop(0, NCH // NB, body, None)
        for b in range(NB):
            j = NCH - NB + b
            pltpu.make_async_copy(stage[b], acc.at[idx_v.at[j]],
                                  ssem[b]).wait()
        plsc.subcore_barrier()
        pltpu.sync_copy(acc.at[pl.ds(sid * STRIPE, STRIPE)],
                        out_hbm.at[cid, pl.ds(sid * STRIPE, STRIPE)])

    return _sc_scatter



_BLK = 8192
_RB = _BLK // 8


def _bf(a):
    return a.astype(jnp.bfloat16).astype(jnp.float32)


def _edge_body(ea_ref, xg_ref, cen_ref, Wb1_ref, bb1_ref, Wb2_ref, bb2_ref,
               Wbin_ref, gs8_ref, out_ref):
    ea0 = ea_ref[0]
    ea1 = ea_ref[1]
    ea2_ = ea_ref[2]
    d2 = ea0 * ea0 + ea1 * ea1 + ea2_ * ea2_
    dd = jnp.sqrt(d2 + 1e-12)
    r8 = lax.broadcasted_iota(jnp.int32, (8, 128), 0)
    c128 = lax.broadcasted_iota(jnp.int32, (8, 128), 1) // C
    spread = (r8 == c128).astype(jnp.float32)
    ddp = jnp.dot(dd, spread, preferred_element_type=jnp.float32,
                  precision=lax.Precision.HIGHEST)
    sigma = RMAX / RBF
    rb = jnp.exp(-(((ddp - cen_ref[...]) / sigma) ** 2))
    z = jnp.maximum(jnp.dot(rb, Wb1_ref[...],
                            preferred_element_type=jnp.float32)
                    + bb1_ref[...], 0.0)
    Rm = jnp.dot(z, Wb2_ref[...],
                 preferred_element_type=jnp.float32) + bb2_ref[...]
    hs = jnp.dot(xg_ref[...], Wbin_ref[...],
                 preferred_element_type=jnp.float32)
    hsrep = jnp.concatenate([hs] * C, axis=1)
    P = _bf(Rm) * _bf(hsrep)
    Ph = _bf(P)
    Pl = P - Ph
    m = jnp.dot(Ph, gs8_ref[...], preferred_element_type=jnp.float32) \
        + jnp.dot(Pl, gs8_ref[...], preferred_element_type=jnp.float32)
    out_ref[...] = m * (_SH0 / _SQRT_AVG)


def _edge_tc(ea_p, xg, cen, Wb1, bb1, Wb2, bb2, Wbin, gs8):
    return pl.pallas_call(
        _edge_body,
        grid=(E_PAD // _BLK,),
        in_specs=[
            pl.BlockSpec((3, _RB, 8), lambda i: (0, i, 0)),
            pl.BlockSpec((_RB, 128), lambda i: (i, 0)),
            pl.BlockSpec((1, 128), lambda i: (0, 0)),
            pl.BlockSpec((128, 96), lambda i: (0, 0)),
            pl.BlockSpec((1, 96), lambda i: (0, 0)),
            pl.BlockSpec((96, 2048), lambda i: (0, 0)),
            pl.BlockSpec((1, 2048), lambda i: (0, 0)),
            pl.BlockSpec((128, 128), lambda i: (0, 0)),
            pl.BlockSpec((2048, 128), lambda i: (0, 0)),
        ],
        out_specs=pl.BlockSpec((_RB, 128), lambda i: (i, 0)),
        out_shape=jax.ShapeDtypeStruct((RP, 128), jnp.float32),
    )(ea_p, xg, cen, Wb1, bb1, Wb2, bb2, Wbin, gs8)



def _node_body(acc_ref, batch_ref, Wout_ref, Wd1_ref, bd1_ref,
               Wd2_ref, bd2_ref, out_ref):
    agg = acc_ref[0] + acc_ref[1]
    s = jnp.sqrt(jnp.mean(agg * agg, axis=1, keepdims=True) + 1e-8)
    v = jnp.dot(agg / s, Wout_ref[...], preferred_element_type=jnp.float32)
    sp = jnp.maximum(v, 0.0) + jnp.log(1.0 + jnp.exp(-jnp.abs(v)))
    out0 = sp - _LOG2
    gi = lax.broadcasted_iota(jnp.int32, (G, N_ACC), 0)
    oh = (batch_ref[...] == gi).astype(jnp.float32)
    o1 = _bf(out0)
    r1 = out0 - o1
    o2 = _bf(r1)
    o3 = r1 - o2
    sums = jnp.dot(oh, o1, preferred_element_type=jnp.float32) \
        + jnp.dot(oh, o2, preferred_element_type=jnp.float32) \
        + jnp.dot(oh, o3, preferred_element_type=jnp.float32)
    cnt = jnp.sum(oh, axis=1, keepdims=True)
    mean = sums / jnp.maximum(cnt, 1.0)
    h1 = jnp.dot(mean, Wd1_ref[...], preferred_element_type=jnp.float32) \
        + bd1_ref[...]
    h1 = jnp.where(h1 > 0.0, h1, jnp.exp(h1) - 1.0)
    out_ref[...] = jnp.dot(h1, Wd2_ref[...],
                           preferred_element_type=jnp.float32) + bd2_ref[...]


def _node_tc(acc2, batch_p, Wout, Wd1, bd1, Wd2, bd2):
    return pl.pallas_call(
        _node_body,
        out_shape=jax.ShapeDtypeStruct((G, 1), jnp.float32),
    )(acc2, batch_p, Wout, Wd1, bd1, Wd2, bd2)



def kernel(x, edge_index, edge_attr, batch, W_in0, Wr1_0, br1_0, Wr2_0, br2_0,
           W_out0, Wr1_1, br1_1, Wr2_1, br2_1, W_out1, Wr1_2, br1_2, Wr2_2,
           br2_2, W_out2, Wd1, bd1, Wd2, bd2):
    src = edge_index[0].astype(jnp.int32)
    dst = edge_index[1].astype(jnp.int32)
    pad = E_PAD - E
    src_p = jnp.concatenate([src, jnp.zeros((pad,), jnp.int32)]) \
        .reshape(NW, NCH, CH)
    dst_p = jnp.concatenate([dst, jnp.full((pad,), N, jnp.int32)]) \
        .reshape(NW, NCH, CH)
    ea_3 = jnp.pad(edge_attr.T, ((0, 0), (0, pad))).reshape(3, RP, 8)
    batch_p = jnp.concatenate(
        [batch.astype(jnp.int32), jnp.full((N_ACC - N,), G, jnp.int32)]) \
        .reshape(1, N_ACC)
    zeros_acc = jnp.zeros((N_ACC, C), jnp.float32)

    eye8 = jnp.eye(8, dtype=jnp.float32)
    Wbin = jnp.kron(eye8, W_in0)
    Wb1 = jnp.kron(eye8, Wr1_0)
    bb1 = jnp.tile(br1_0, 8).reshape(1, 96)
    Wb2 = jnp.kron(eye8, Wr2_0).reshape(96, 8, C, C) \
        .transpose(0, 2, 1, 3).reshape(96, 2048)
    bb2 = jnp.tile(br2_0.reshape(C, 1, C), (1, 8, 1)).reshape(1, 2048)
    gs16 = jnp.repeat(jnp.eye(C, dtype=jnp.float32), C, axis=0)
    gs8 = jnp.kron(eye8, gs16).reshape(8, C, C, 128) \
        .transpose(1, 0, 2, 3).reshape(2048, 128)

    cen = jnp.tile(jnp.linspace(0.0, RMAX, RBF, dtype=jnp.float32), 8) \
        .reshape(1, 128)

    xg = _make_sc_gather()(x, src_p).reshape(RP, 128)
    msgs = _edge_tc(ea_3, xg, cen, Wb1, bb1, Wb2, bb2, Wbin, gs8) \
        .reshape(E_PAD, C)
    acc2 = _make_sc_scatter()(msgs, dst_p, zeros_acc)
    out = _node_tc(acc2, batch_p, W_out0, Wd1, bd1.reshape(1, -1),
                   Wd2, bd2.reshape(1, -1))
    return out.reshape(G)

# --- scband reference (transcript-rebuilt; emitter-appended) ---
"""Pipeline reference for scband-e3-nn-model-52510270161536 (READ-ONLY COPY).

The authoritative reference and input builder live on the scoring server;
editing this copy changes nothing except your own understanding.
"""

import jax, jax.numpy as jnp
import numpy as np

N = 10000
E = 160000
C = 16
RBF = 16
RMAX = 10.0
H = 12
G = 64
AVG = 16.0
FC = 32


def setup_inputs(seed: int = 0):
    key = jax.random.key(seed)
    ks = jax.random.split(key, 32)
    inp = {}
    inp['x'] = jax.random.normal(ks[0], (N, C), dtype=jnp.float32)
    inp['edge_index'] = jax.random.randint(ks[1], (2, E), 0, N)
    inp['edge_attr'] = jax.random.normal(ks[2], (E, 3), dtype=jnp.float32) * 2.0
    inp['batch'] = jnp.sort(jax.random.randint(ks[3], (N,), 0, G))
    s = 0.3
    inp['W_in0'] = jax.random.normal(ks[4], (C, C), dtype=jnp.float32) * s / np.sqrt(C)
    i = 5
    for o in range(3):
        inp['Wr1_' + str(o)] = jax.random.normal(ks[i], (RBF, H), dtype=jnp.float32) * s
        i += 1
        inp['br1_' + str(o)] = jnp.zeros((H,), dtype=jnp.float32)
        inp['Wr2_' + str(o)] = jax.random.normal(ks[i], (H, C * C), dtype=jnp.float32) * s / np.sqrt(H)
        i += 1
        inp['br2_' + str(o)] = jnp.zeros((C * C,), dtype=jnp.float32)
        inp['W_out' + str(o)] = jax.random.normal(ks[i], (C, C), dtype=jnp.float32) * s / np.sqrt(C)
        i += 1
    inp['Wd1'] = jax.random.normal(ks[i], (C, FC), dtype=jnp.float32) / np.sqrt(C)
    i += 1
    inp['bd1'] = jnp.zeros((FC,), dtype=jnp.float32)
    inp['Wd2'] = jax.random.normal(ks[i], (FC, 1), dtype=jnp.float32) / np.sqrt(FC)
    inp['bd2'] = jnp.zeros((1,), dtype=jnp.float32)
    return inp


def _ssp(v):
    # ShiftedSoftplus: softplus(x) - softplus(0)
    return jax.nn.softplus(v) - 0.6931471805599453


def _sh(u):
    # real spherical harmonics l=0,1,2 of unit vectors u [E,3]
    ux, uy, uz = u[:, 0], u[:, 1], u[:, 2]
    sh0 = jnp.full((u.shape[0], 1), 0.28209479177387814, dtype=u.dtype)
    c1 = 0.4886025119029199
    sh1 = jnp.stack([c1 * uy, c1 * uz, c1 * ux], axis=1)
    c2 = 1.0925484305920792
    sh2 = jnp.stack([
        c2 * ux * uy,
        c2 * uy * uz,
        0.31539156525252005 * (3.0 * uz * uz - 1.0),
        c2 * ux * uz,
        0.5462742152960396 * (ux * ux - uy * uy),
    ], axis=1)
    return (sh0, sh1, sh2)


def _norm(v):
    # equivariant norm layer over (channel, m) dims
    s = jnp.sqrt(jnp.mean(v * v, axis=(1, 2), keepdims=True) + 1e-8)
    return v / s


def reference(x, edge_index, edge_attr, batch, W_in0, Wr1_0, br1_0, Wr2_0, br2_0, W_out0, Wr1_1, br1_1, Wr2_1, br2_1, W_out1, Wr1_2, br1_2, Wr2_2, br2_2, W_out2, Wd1, bd1, Wd2, bd2):
    src = edge_index[0]
    dst = edge_index[1]
    d = jnp.sqrt(jnp.sum(edge_attr * edge_attr, axis=1) + 1e-12)
    u = edge_attr / d[:, None]
    shs = _sh(u)
    centers = jnp.linspace(0.0, RMAX, RBF)
    sigma = RMAX / RBF
    rb = jnp.exp(-(((d[:, None] - centers[None, :]) / sigma) ** 2))
    # in_lin0 (scalar channels)
    h = x @ W_in0
    hs = h[src]
    paths = [
        (Wr1_0, br1_0, Wr2_0, br2_0, W_out0),
        (Wr1_1, br1_1, Wr2_1, br2_1, W_out1),
        (Wr1_2, br1_2, Wr2_2, br2_2, W_out2),
    ]
    outs = []
    for o in range(3):
        Wr1, br1, Wr2, br2, W_out = paths[o]
        # GaussianRadialModel: gaussian basis -> MLP (h=12, L=1, relu)
        R = (jax.nn.relu(rb @ Wr1 + br1) @ Wr2 + br2).reshape(rb.shape[0], C, C)
        # Kernel for 0 -> o path: K = R(|r|) (x) Y_o(r_hat) (CG of 0 (x) o -> o is identity)
        m = jnp.einsum('eoi,ei->eo', R, hs)
        m = m[:, :, None] * shs[o][:, None, :] / jnp.sqrt(AVG)
        agg = jax.ops.segment_sum(m, dst, num_segments=N)
        v = _norm(agg)
        v = jnp.einsum('ncm,co->nom', v, W_out)
        if o == 0:
            v = _ssp(v)
        else:
            n = jnp.sqrt(jnp.sum(v * v, axis=2, keepdims=True) + 1e-8)
            v = v * (_ssp(n) / n)
        outs.append(v)
    # scatter_mean of scalar (l=0) output over batch assignment
    out0 = outs[0][:, :, 0]
    sums = jax.ops.segment_sum(out0, batch, num_segments=G)
    cnt = jax.ops.segment_sum(jnp.ones((N,), dtype=out0.dtype), batch, num_segments=G)
    mean = sums / jnp.maximum(cnt, 1.0)[:, None]
    hfc = jax.nn.elu(mean @ Wd1 + bd1)
    out = hfc @ Wd2 + bd2
    return jnp.squeeze(out, axis=1)

if __name__ == "__main__":
    import jax
    _d = setup_inputs()
    print(jax.jit(kernel)(*tuple(_d.values())))

</pallas_src>

<mosaic_0001>
#map = affine_map<(d0, d1) -> (0, 0)>
#map1 = affine_map<(d0, d1) -> (0, 0, 0)>
module attributes {stable_mosaic.version = 14 : i64} {
  func.func @_sc_gather(%arg0: i32, %arg1: i32, %arg2: memref<10000x16xf32, #tpu.memory_space<hbm>>, %arg3: memref<32x40x128xi32, #tpu.memory_space<hbm>>, %arg4: memref<163840x16xf32, #tpu.memory_space<hbm>>, %arg5: memref<40x128xi32, #tpu.memory_space<vmem>>, %arg6: memref<128x16xf32, #tpu.memory_space<vmem>>, %arg7: memref<128x16xf32, #tpu.memory_space<vmem>>, %arg8: memref<128x16xf32, #tpu.memory_space<vmem>>, %arg9: memref<128x16xf32, #tpu.memory_space<vmem>>, %arg10: memref<!tpu.dma_semaphore, #tpu.memory_space<semaphore_mem>>, %arg11: memref<!tpu.dma_semaphore, #tpu.memory_space<semaphore_mem>>, %arg12: memref<!tpu.dma_semaphore, #tpu.memory_space<semaphore_mem>>, %arg13: memref<!tpu.dma_semaphore, #tpu.memory_space<semaphore_mem>>, %arg14: memref<!tpu.dma_semaphore, #tpu.memory_space<semaphore_mem>>, %arg15: memref<!tpu.dma_semaphore, #tpu.memory_space<semaphore_mem>>, %arg16: memref<!tpu.dma_semaphore, #tpu.memory_space<semaphore_mem>>, %arg17: memref<!tpu.dma_semaphore, #tpu.memory_space<semaphore_mem>>) attributes {dimension_semantics = [#tpu.dimension_semantics<core_parallel>, #tpu.dimension_semantics<subcore_parallel>], iteration_bounds = array<i64: 2, 16>, scalar_prefetch = 0 : i64, scratch_operands = 13 : i64, tpu.core_type = #tpu.core_type<sc_vector_subcore>, window_params = [{transform_indices = #map}, {transform_indices = #map1}, {transform_indices = #map}]} {
    %mul3A = arith.constant 2 : i32
    %mul3A_0 = arith.muli %arg1, %mul3A : i32
    %add3A = arith.addi %mul3A_0, %arg0 : i32
    "tpu.region"() ({
      %run_scoped3A = tpu.sem_alloc : memref<!tpu.dma_semaphore, #tpu.memory_space<semaphore_mem>>
      %dma_start3A_63 = arith.constant 0 : i32
      %dma_start3A_64 = arith.constant 0 : i32
      %dma_start3A_65 = tpu.memref_slice %arg3[%add3A, %dma_start3A_63, %dma_start3A_64] : memref<32x40x128xi32, #tpu.memory_space<hbm>> -> memref<1x40x128xi32, #tpu.memory_space<hbm>>
      %dma_start3A_66 = tpu.memref_squeeze %dma_start3A_65 : memref<1x40x128xi32, #tpu.memory_space<hbm>> -> memref<40x128xi32, #tpu.memory_space<hbm>>
      %dma_start3A_67 = arith.constant 0 : i32
      %dma_start3A_68 = arith.constant 0 : i32
      %dma_start3A_69 = tpu.memref_slice %arg3[%add3A, %dma_start3A_67, %dma_start3A_68] : memref<32x40x128xi32, #tpu.memory_space<hbm>> -> memref<1x40x128xi32, #tpu.memory_space<hbm>>
      %dma_start3A_70 = tpu.memref_squeeze %dma_start3A_69 : memref<1x40x128xi32, #tpu.memory_space<hbm>> -> memref<40x128xi32, #tpu.memory_space<hbm>>
      tpu.enqueue_dma source(%dma_start3A_70 : memref<40x128xi32, #tpu.memory_space<hbm>>) target(%arg5 : memref<40x128xi32, #tpu.memory_space<vmem>>) target_semaphore(%run_scoped3A : memref<!tpu.dma_semaphore, #tpu.memory_space<semaphore_mem>>)
      %dma_wait3A_71 = arith.constant 0 : i32
      %dma_wait3A_72 = arith.constant 0 : i32
      %dma_wait3A_73 = tpu.memref_slice %arg3[%add3A, %dma_wait3A_71, %dma_wait3A_72] : memref<32x40x128xi32, #tpu.memory_space<hbm>> -> memref<1x40x128xi32, #tpu.memory_space<hbm>>
      %dma_wait3A_74 = tpu.memref_squeeze %dma_wait3A_73 : memref<1x40x128xi32, #tpu.memory_space<hbm>> -> memref<40x128xi32, #tpu.memory_space<hbm>>
      %dma_wait3A_75 = arith.constant 0 : i32
      %dma_wait3A_76 = arith.constant 0 : i32
      %dma_wait3A_77 = tpu.memref_slice %arg3[%add3A, %dma_wait3A_75, %dma_wait3A_76] : memref<32x40x128xi32, #tpu.memory_space<hbm>> -> memref<1x40x128xi32, #tpu.memory_space<hbm>>
      %dma_wait3A_78 = tpu.memref_squeeze %dma_wait3A_77 : memref<1x40x128xi32, #tpu.memory_space<hbm>> -> memref<40x128xi32, #tpu.memory_space<hbm>>
      tpu.wait_dma2 semaphore(%run_scoped3A : memref<!tpu.dma_semaphore, #tpu.memory_space<semaphore_mem>>) src(%dma_wait3A_78 : memref<40x128xi32, #tpu.memory_space<hbm>>) dst(%arg5 : memref<40x128xi32, #tpu.memory_space<vmem>>)
      tpu.yield
    }) : () -> ()
    %dma_start3A = arith.constant 0 : i32
    %dma_start3A_1 = arith.constant 0 : i32
    %dma_start3A_2 = tpu.memref_slice %arg5[%dma_start3A, %dma_start3A_1] : memref<40x128xi32, #tpu.memory_space<vmem>> -> memref<1x128xi32, #tpu.memory_space<vmem>>
    %dma_start3A_3 = tpu.memref_squeeze %dma_start3A_2 : memref<1x128xi32, #tpu.memory_space<vmem>> -> memref<128xi32, #tpu.memory_space<vmem>>
    %dma_start3A_4 = arith.constant 0 : i32
    %dma_start3A_5 = arith.constant 0 : i32
    %dma_start3A_6 = tpu.memref_slice %arg2[%dma_start3A_4, %dma_start3A_5] : memref<10000x16xf32, #tpu.memory_space<hbm>> -> memref<10000x16xf32, #tpu.memory_space<hbm>>
    tpu.enqueue_indirect_dma source(%dma_start3A_6 : memref<10000x16xf32, #tpu.memory_space<hbm>>) target(%arg6 : memref<128x16xf32, #tpu.memory_space<vmem>>) offsets(%dma_start3A_3 : memref<128xi32, #tpu.memory_space<vmem>>) semaphore(%arg10 : memref<!tpu.dma_semaphore, #tpu.memory_space<semaphore_mem>>)
    %dma_start3A_7 = arith.constant 1 : i32
    %dma_start3A_8 = arith.constant 0 : i32
    %dma_start3A_9 = tpu.memref_slice %arg5[%dma_start3A_7, %dma_start3A_8] : memref<40x128xi32, #tpu.memory_space<vmem>> -> memref<1x128xi32, #tpu.memory_space<vmem>>
    %dma_start3A_10 = tpu.memref_squeeze %dma_start3A_9 : memref<1x128xi32, #tpu.memory_space<vmem>> -> memref<128xi32, #tpu.memory_space<vmem>>
    %dma_start3A_11 = arith.constant 0 : i32
    %dma_start3A_12 = arith.constant 0 : i32
    %dma_start3A_13 = tpu.memref_slice %arg2[%dma_start3A_11, %dma_start3A_12] : memref<10000x16xf32, #tpu.memory_space<hbm>> -> memref<10000x16xf32, #tpu.memory_space<hbm>>
    tpu.enqueue_indirect_dma source(%dma_start3A_13 : memref<10000x16xf32, #tpu.memory_space<hbm>>) target(%arg7 : memref<128x16xf32, #tpu.memory_space<vmem>>) offsets(%dma_start3A_10 : memref<128xi32, #tpu.memory_space<vmem>>) semaphore(%arg11 : memref<!tpu.dma_semaphore, #tpu.memory_space<semaphore_mem>>)
    %dma_start3A_14 = arith.constant 2 : i32
    %dma_start3A_15 = arith.constant 0 : i32
    %dma_start3A_16 = tpu.memref_slice %arg5[%dma_start3A_14, %dma_start3A_15] : memref<40x128xi32, #tpu.memory_space<vmem>> -> memref<1x128xi32, #tpu.memory_space<vmem>>
    %dma_start3A_17 = tpu.memref_squeeze %dma_start3A_16 : memref<1x128xi32, #tpu.memory_space<vmem>> -> memref<128xi32, #tpu.memory_space<vmem>>
    %dma_start3A_18 = arith.constant 0 : i32
    %dma_start3A_19 = arith.constant 0 : i32
    %dma_start3A_20 = tpu.memref_slice %arg2[%dma_start3A_18, %dma_start3A_19] : memref<10000x16xf32, #tpu.memory_space<hbm>> -> memref<10000x16xf32, #tpu.memory_space<hbm>>
    tpu.enqueue_indirect_dma source(%dma_start3A_20 : memref<10000x16xf32, #tpu.memory_space<hbm>>) target(%arg8 : memref<128x16xf32, #tpu.memory_space<vmem>>) offsets(%dma_start3A_17 : memref<128xi32, #tpu.memory_space<vmem>>) semaphore(%arg12 : memref<!tpu.dma_semaphore, #tpu.memory_space<semaphore_mem>>)
    %dma_start3A_21 = arith.constant 3 : i32
    %dma_start3A_22 = arith.constant 0 : i32
    %dma_start3A_23 = tpu.memref_slice %arg5[%dma_start3A_21, %dma_start3A_22] : memref<40x128xi32, #tpu.memory_space<vmem>> -> memref<1x128xi32, #tpu.memory_space<vmem>>
    %dma_start3A_24 = tpu.memref_squeeze %dma_start3A_23 : memref<1x128xi32, #tpu.memory_space<vmem>> -> memref<128xi32, #tpu.memory_space<vmem>>
    %dma_start3A_25 = arith.constant 0 : i32
    %dma_start3A_26 = arith.constant 0 : i32
    %dma_start3A_27 = tpu.memref_slice %arg2[%dma_start3A_25, %dma_start3A_26] : memref<10000x16xf32, #tpu.memory_space<hbm>> -> memref<10000x16xf32, #tpu.memory_space<hbm>>
    tpu.enqueue_indirect_dma source(%dma_start3A_27 : memref<10000x16xf32, #tpu.memory_space<hbm>>) target(%arg9 : memref<128x16xf32, #tpu.memory_space<vmem>>) offsets(%dma_start3A_24 : memref<128xi32, #tpu.memory_space<vmem>>) semaphore(%arg13 : memref<!tpu.dma_semaphore, #tpu.memory_space<semaphore_mem>>)
    %scan3A = arith.constant 0 : i32
    %scan3A_28 = arith.constant 10 : i32
    %scan3A_29 = arith.addi %scan3A, %scan3A_28 : i32
    %scan3A_30 = arith.constant 1 : i32
    scf.for %scan3A_63 = %scan3A to %scan3A_29 step %scan3A_30  : i32 {
      %mul3A_64 = arith.constant 4 : i32
      %mul3A_65 = arith.muli %scan3A_63, %mul3A_64 : i32
      %add3A_66 = arith.constant 0 : i32
      %add3A_67 = arith.addi %mul3A_65, %add3A_66 : i32
      %dma_wait3A_68 = arith.constant 0 : i32
      %dma_wait3A_69 = tpu.memref_slice %arg5[%add3A_67, %dma_wait3A_68] : memref<40x128xi32, #tpu.memory_space<vmem>> -> memref<1x128xi32, #tpu.memory_space<vmem>>
      %dma_wait3A_70 = tpu.memref_squeeze %dma_wait3A_69 : memref<1x128xi32, #tpu.memory_space<vmem>> -> memref<128xi32, #tpu.memory_space<vmem>>
      %dma_wait3A_71 = arith.constant 0 : i32
      %dma_wait3A_72 = arith.constant 0 : i32
      %dma_wait3A_73 = tpu.memref_slice %arg2[%dma_wait3A_71, %dma_wait3A_72] : memref<10000x16xf32, #tpu.memory_space<hbm>> -> memref<10000x16xf32, #tpu.memory_space<hbm>>
      tpu.wait_indirect_dma semaphore(%arg10 : memref<!tpu.dma_semaphore, #tpu.memory_space<semaphore_mem>>) src(%dma_wait3A_73 : memref<10000x16xf32, #tpu.memory_space<hbm>>) dst(%arg6 : memref<128x16xf32, #tpu.memory_space<vmem>>)
      %mul3A_74 = arith.constant 5120 : i32
      %mul3A_75 = arith.muli %add3A, %mul3A_74 : i32
      %mul3A_76 = arith.constant 128 : i32
      %mul3A_77 = arith.muli %add3A_67, %mul3A_76 : i32
      %add3A_78 = arith.addi %mul3A_75, %mul3A_77 : i32
      %dma_start3A_79 = arith.constant 0 : i32
      %dma_start3A_80 = tpu.memref_slice %arg4[%add3A_78, %dma_start3A_79] : memref<163840x16xf32, #tpu.memory_space<hbm>> -> memref<128x16xf32, #tpu.memory_space<hbm>>
      %dma_start3A_81 = arith.constant 0 : i32
      %dma_start3A_82 = tpu.memref_slice %arg4[%add3A_78, %dma_start3A_81] : memref<163840x16xf32, #tpu.memory_space<hbm>> -> memref<128x16xf32, #tpu.memory_space<hbm>>
      tpu.enqueue_dma source(%arg6 : memref<128x16xf32, #tpu.memory_space<vmem>>) target(%dma_start3A_82 : memref<128x16xf32, #tpu.memory_space<hbm>>) target_semaphore(%arg14 : memref<!tpu.dma_semaphore, #tpu.memory_space<semaphore_mem>>)
      %mul3A_83 = arith.constant 4 : i32
      %mul3A_84 = arith.muli %scan3A_63, %mul3A_83 : i32
      %add3A_85 = arith.constant 1 : i32
      %add3A_86 = arith.addi %mul3A_84, %add3A_85 : i32
      %dma_wait3A_87 = arith.constant 0 : i32
      %dma_wait3A_88 = tpu.memref_slice %arg5[%add3A_86, %dma_wait3A_87] : memref<40x128xi32, #tpu.memory_space<vmem>> -> memref<1x128xi32, #tpu.memory_space<vmem>>
      %dma_wait3A_89 = tpu.memref_squeeze %dma_wait3A_88 : memref<1x128xi32, #tpu.memory_space<vmem>> -> memref<128xi32, #tpu.memory_space<vmem>>
      %dma_wait3A_90 = arith.constant 0 : i32
      %dma_wait3A_91 = arith.constant 0 : i32
      %dma_wait3A_92 = tpu.memref_slice %arg2[%dma_wait3A_90, %dma_wait3A_91] : memref<10000x16xf32, #tpu.memory_space<hbm>> -> memref<10000x16xf32, #tpu.memory_space<hbm>>
      tpu.wait_indirect_dma semaphore(%arg11 : memref<!tpu.dma_semaphore, #tpu.memory_space<semaphore_mem>>) src(%dma_wait3A_92 : memref<10000x16xf32, #tpu.memory_space<hbm>>) dst(%arg7 : memref<128x16xf32, #tpu.memory_space<vmem>>)
      %mul3A_93 = arith.constant 5120 : i32
      %mul3A_94 = arith.muli %add3A, %mul3A_93 : i32
      %mul3A_95 = arith.constant 128 : i32
      %mul3A_96 = arith.muli %add3A_86, %mul3A_95 : i32
      %add3A_97 = arith.addi %mul3A_94, %mul3A_96 : i32
      %dma_start3A_98 = arith.constant 0 : i32
      %dma_start3A_99 = tpu.memref_slice %arg4[%add3A_97, %dma_start3A_98] : memref<163840x16xf32, #tpu.memory_space<hbm>> -> memref<128x16xf32, #tpu.memory_space<hbm>>
      %dma_start3A_100 = arith.constant 0 : i32
      %dma_start3A_101 = tpu.memref_slice %arg4[%add3A_97, %dma_start3A_100] : memref<163840x16xf32, #tpu.memory_space<hbm>> -> memref<128x16xf32, #tpu.memory_space<hbm>>
      tpu.enqueue_dma source(%arg7 : memref<128x16xf32, #tpu.memory_space<vmem>>) target(%dma_start3A_101 : memref<128x16xf32, #tpu.memory_space<hbm>>) target_semaphore(%arg15 : memref<!tpu.dma_semaphore, #tpu.memory_space<semaphore_mem>>)
      %mul3A_102 = arith.constant 4 : i32
      %mul3A_103 = arith.muli %scan3A_63, %mul3A_102 : i32
      %add3A_104 = arith.constant 2 : i32
      %add3A_105 = arith.addi %mul3A_103, %add3A_104 : i32
      %dma_wait3A_106 = arith.constant 0 : i32
      %dma_wait3A_107 = tpu.memref_slice %arg5[%add3A_105, %dma_wait3A_106] : memref<40x128xi32, #tpu.memory_space<vmem>> -> memref<1x128xi32, #tpu.memory_space<vmem>>
      %dma_wait3A_108 = tpu.memref_squeeze %dma_wait3A_107 : memref<1x128xi32, #tpu.memory_space<vmem>> -> memref<128xi32, #tpu.memory_space<vmem>>
      %dma_wait3A_109 = arith.constant 0 : i32
      %dma_wait3A_110 = arith.constant 0 : i32
      %dma_wait3A_111 = tpu.memref_slice %arg2[%dma_wait3A_109, %dma_wait3A_110] : memref<10000x16xf32, #tpu.memory_space<hbm>> -> memref<10000x16xf32, #tpu.memory_space<hbm>>
      tpu.wait_indirect_dma semaphore(%arg12 : memref<!tpu.dma_semaphore, #tpu.memory_space<semaphore_mem>>) src(%dma_wait3A_111 : memref<10000x16xf32, #tpu.memory_space<hbm>>) dst(%arg8 : memref<128x16xf32, #tpu.memory_space<vmem>>)
      %mul3A_112 = arith.constant 5120 : i32
      %mul3A_113 = arith.muli %add3A, %mul3A_112 : i32
      %mul3A_114 = arith.constant 128 : i32
      %mul3A_115 = arith.muli %add3A_105, %mul3A_114 : i32
      %add3A_116 = arith.addi %mul3A_113, %mul3A_115 : i32
      %dma_start3A_117 = arith.constant 0 : i32
      %dma_start3A_118 = tpu.memref_slice %arg4[%add3A_116, %dma_start3A_117] : memref<163840x16xf32, #tpu.memory_space<hbm>> -> memref<128x16xf32, #tpu.memory_space<hbm>>
      %dma_start3A_119 = arith.constant 0 : i32
      %dma_start3A_120 = tpu.memref_slice %arg4[%add3A_116, %dma_start3A_119] : memref<163840x16xf32, #tpu.memory_space<hbm>> -> memref<128x16xf32, #tpu.memory_space<hbm>>
      tpu.enqueue_dma source(%arg8 : memref<128x16xf32, #tpu.memory_space<vmem>>) target(%dma_start3A_120 : memref<128x16xf32, #tpu.memory_space<hbm>>) target_semaphore(%arg16 : memref<!tpu.dma_semaphore, #tpu.memory_space<semaphore_mem>>)
      %mul3A_121 = arith.constant 4 : i32
      %mul3A_122 = arith.muli %scan3A_63, %mul3A_121 : i32
      %add3A_123 = arith.constant 3 : i32
      %add3A_124 = arith.addi %mul3A_122, %add3A_123 : i32
      %dma_wait3A_125 = arith.constant 0 : i32
      %dma_wait3A_126 = tpu.memref_slice %arg5[%add3A_124, %dma_wait3A_125] : memref<40x128xi32, #tpu.memory_space<vmem>> -> memref<1x128xi32, #tpu.memory_space<vmem>>
      %dma_wait3A_127 = tpu.memref_squeeze %dma_wait3A_126 : memref<1x128xi32, #tpu.memory_space<vmem>> -> memref<128xi32, #tpu.memory_space<vmem>>
      %dma_wait3A_128 = arith.constant 0 : i32
      %dma_wait3A_129 = arith.constant 0 : i32
      %dma_wait3A_130 = tpu.memref_slice %arg2[%dma_wait3A_128, %dma_wait3A_129] : memref<10000x16xf32, #tpu.memory_space<hbm>> -> memref<10000x16xf32, #tpu.memory_space<hbm>>
      tpu.wait_indirect_dma semaphore(%arg13 : memref<!tpu.dma_semaphore, #tpu.memory_space<semaphore_mem>>) src(%dma_wait3A_130 : memref<10000x16xf32, #tpu.memory_space<hbm>>) dst(%arg9 : memref<128x16xf32, #tpu.memory_space<vmem>>)
      %mul3A_131 = arith.constant 5120 : i32
      %mul3A_132 = arith.muli %add3A, %mul3A_131 : i32
      %mul3A_133 = arith.constant 128 : i32
      %mul3A_134 = arith.muli %add3A_124, %mul3A_133 : i32
      %add3A_135 = arith.addi %mul3A_132, %mul3A_134 : i32
      %dma_start3A_136 = arith.constant 0 : i32
      %dma_start3A_137 = tpu.memref_slice %arg4[%add3A_135, %dma_start3A_136] : memref<163840x16xf32, #tpu.memory_space<hbm>> -> memref<128x16xf32, #tpu.memory_space<hbm>>
      %dma_start3A_138 = arith.constant 0 : i32
      %dma_start3A_139 = tpu.memref_slice %arg4[%add3A_135, %dma_start3A_138] : memref<163840x16xf32, #tpu.memory_space<hbm>> -> memref<128x16xf32, #tpu.memory_space<hbm>>
      tpu.enqueue_dma source(%arg9 : memref<128x16xf32, #tpu.memory_space<vmem>>) target(%dma_start3A_139 : memref<128x16xf32, #tpu.memory_space<hbm>>) target_semaphore(%arg17 : memref<!tpu.dma_semaphore, #tpu.memory_space<semaphore_mem>>)
      %add3A_140 = arith.constant 1 : i32
      %add3A_141 = arith.addi %scan3A_63, %add3A_140 : i32
      %mul3A_142 = arith.constant 4 : i32
      %mul3A_143 = arith.muli %add3A_141, %mul3A_142 : i32
      %add3A_144 = arith.constant 0 : i32
      %add3A_145 = arith.addi %mul3A_143, %add3A_144 : i32
      %lt3A = arith.constant 40 : i32
      %lt3A_146 = arith.cmpi slt, %add3A_145, %lt3A : i32
      %convert_element_type3A = arith.extui %lt3A_146 : i1 to i32
      %cond3A = arith.constant 0 : i32
      %cond3A_147 = arith.cmpi ne, %convert_element_type3A, %cond3A : i32
      scf.if %cond3A_147 {
        %mul3A_181 = arith.constant 5120 : i32
        %mul3A_182 = arith.muli %add3A, %mul3A_181 : i32
        %mul3A_183 = arith.constant 128 : i32
        %mul3A_184 = arith.muli %add3A_145, %mul3A_183 : i32
        %add3A_185 = arith.addi %mul3A_182, %mul3A_184 : i32
        %dma_wait3A_186 = arith.constant 0 : i32
        %dma_wait3A_187 = tpu.memref_slice %arg4[%add3A_185, %dma_wait3A_186] : memref<163840x16xf32, #tpu.memory_space<hbm>> -> memref<128x16xf32, #tpu.memory_space<hbm>>
        %dma_wait3A_188 = arith.constant 0 : i32
        %dma_wait3A_189 = tpu.memref_slice %arg4[%add3A_185, %dma_wait3A_188] : memref<163840x16xf32, #tpu.memory_space<hbm>> -> memref<128x16xf32, #tpu.memory_space<hbm>>
        tpu.wait_dma2 semaphore(%arg14 : memref<!tpu.dma_semaphore, #tpu.memory_space<semaphore_mem>>) src(%arg6 : memref<128x16xf32, #tpu.memory_space<vmem>>) dst(%dma_wait3A_189 : memref<128x16xf32, #tpu.memory_space<hbm>>)
        %dma_start3A_190 = arith.constant 0 : i32
        %dma_start3A_191 = tpu.memref_slice %arg5[%add3A_145, %dma_start3A_190] : memref<40x128xi32, #tpu.memory_space<vmem>> -> memref<1x128xi32, #tpu.memory_space<vmem>>
        %dma_start3A_192 = tpu.memref_squeeze %dma_start3A_191 : memref<1x128xi32, #tpu.memory_space<vmem>> -> memref<128xi32, #tpu.memory_space<vmem>>
        %dma_start3A_193 = arith.constant 0 : i32
        %dma_start3A_194 = arith.constant 0 : i32
        %dma_start3A_195 = tpu.memref_slice %arg2[%dma_start3A_193, %dma_start3A_194] : memref<10000x16xf32, #tpu.memory_space<hbm>> -> memref<10000x16xf32, #tpu.memory_space<hbm>>
        tpu.enqueue_indirect_dma source(%dma_start3A_195 : memref<10000x16xf32, #tpu.memory_space<hbm>>) target(%arg6 : memref<128x16xf32, #tpu.memory_space<vmem>>) offsets(%dma_start3A_192 : memref<128xi32, #tpu.memory_space<vmem>>) semaphore(%arg10 : memref<!tpu.dma_semaphore, #tpu.memory_space<semaphore_mem>>)
      } else {
      }
      %add3A_148 = arith.constant 1 : i32
      %add3A_149 = arith.addi %scan3A_63, %add3A_148 : i32
      %mul3A_150 = arith.constant 4 : i32
      %mul3A_151 = arith.muli %add3A_149, %mul3A_150 : i32
      %add3A_152 = arith.constant 1 : i32
      %add3A_153 = arith.addi %mul3A_151, %add3A_152 : i32
      %lt3A_154 = arith.constant 40 : i32
      %lt3A_155 = arith.cmpi slt, %add3A_153, %lt3A_154 : i32
      %convert_element_type3A_156 = arith.extui %lt3A_155 : i1 to i32
      %cond3A_157 = arith.constant 0 : i32
      %cond3A_158 = arith.cmpi ne, %convert_element_type3A_156, %cond3A_157 : i32
      scf.if %cond3A_158 {
        %mul3A_181 = arith.constant 5120 : i32
        %mul3A_182 = arith.muli %add3A, %mul3A_181 : i32
        %mul3A_183 = arith.constant 128 : i32
        %mul3A_184 = arith.muli %add3A_153, %mul3A_183 : i32
        %add3A_185 = arith.addi %mul3A_182, %mul3A_184 : i32
        %dma_wait3A_186 = arith.constant 0 : i32
        %dma_wait3A_187 = tpu.memref_slice %arg4[%add3A_185, %dma_wait3A_186] : memref<163840x16xf32, #tpu.memory_space<hbm>> -> memref<128x16xf32, #tpu.memory_space<hbm>>
        %dma_wait3A_188 = arith.constant 0 : i32
        %dma_wait3A_189 = tpu.memref_slice %arg4[%add3A_185, %dma_wait3A_188] : memref<163840x16xf32, #tpu.memory_space<hbm>> -> memref<128x16xf32, #tpu.memory_space<hbm>>
        tpu.wait_dma2 semaphore(%arg15 : memref<!tpu.dma_semaphore, #tpu.memory_space<semaphore_mem>>) src(%arg7 : memref<128x16xf32, #tpu.memory_space<vmem>>) dst(%dma_wait3A_189 : memref<128x16xf32, #tpu.memory_space<hbm>>)
        %dma_start3A_190 = arith.constant 0 : i32
        %dma_start3A_191 = tpu.memref_slice %arg5[%add3A_153, %dma_start3A_190] : memref<40x128xi32, #tpu.memory_space<vmem>> -> memref<1x128xi32, #tpu.memory_space<vmem>>
        %dma_start3A_192 = tpu.memref_squeeze %dma_start3A_191 : memref<1x128xi32, #tpu.memory_space<vmem>> -> memref<128xi32, #tpu.memory_space<vmem>>
        %dma_start3A_193 = arith.constant 0 : i32
        %dma_start3A_194 = arith.constant 0 : i32
        %dma_start3A_195 = tpu.memref_slice %arg2[%dma_start3A_193, %dma_start3A_194] : memref<10000x16xf32, #tpu.memory_space<hbm>> -> memref<10000x16xf32, #tpu.memory_space<hbm>>
        tpu.enqueue_indirect_dma source(%dma_start3A_195 : memref<10000x16xf32, #tpu.memory_space<hbm>>) target(%arg7 : memref<128x16xf32, #tpu.memory_space<vmem>>) offsets(%dma_start3A_192 : memref<128xi32, #tpu.memory_space<vmem>>) semaphore(%arg11 : memref<!tpu.dma_semaphore, #tpu.memory_space<semaphore_mem>>)
      } else {
      }
      %add3A_159 = arith.constant 1 : i32
      %add3A_160 = arith.addi %scan3A_63, %add3A_159 : i32
      %mul3A_161 = arith.constant 4 : i32
      %mul3A_162 = arith.muli %add3A_160, %mul3A_161 : i32
      %add3A_163 = arith.constant 2 : i32
      %add3A_164 = arith.addi %mul3A_162, %add3A_163 : i32
      %lt3A_165 = arith.constant 40 : i32
      %lt3A_166 = arith.cmpi slt, %add3A_164, %lt3A_165 : i32
      %convert_element_type3A_167 = arith.extui %lt3A_166 : i1 to i32
      %cond3A_168 = arith.constant 0 : i32
      %cond3A_169 = arith.cmpi ne, %convert_element_type3A_167, %cond3A_168 : i32
      scf.if %cond3A_169 {
        %mul3A_181 = arith.constant 5120 : i32
        %mul3A_182 = arith.muli %add3A, %mul3A_181 : i32
        %mul3A_183 = arith.constant 128 : i32
        %mul3A_184 = arith.muli %add3A_164, %mul3A_183 : i32
        %add3A_185 = arith.addi %mul3A_182, %mul3A_184 : i32
        %dma_wait3A_186 = arith.constant 0 : i32
        %dma_wait3A_187 = tpu.memref_slice %arg4[%add3A_185, %dma_wait3A_186] : memref<163840x16xf32, #tpu.memory_space<hbm>> -> memref<128x16xf32, #tpu.memory_space<hbm>>
        %dma_wait3A_188 = arith.constant 0 : i32
        %dma_wait3A_189 = tpu.memref_slice %arg4[%add3A_185, %dma_wait3A_188] : memref<163840x16xf32, #tpu.memory_space<hbm>> -> memref<128x16xf32, #tpu.memory_space<hbm>>
        tpu.wait_dma2 semaphore(%arg16 : memref<!tpu.dma_semaphore, #tpu.memory_space<semaphore_mem>>) src(%arg8 : memref<128x16xf32, #tpu.memory_space<vmem>>) dst(%dma_wait3A_189 : memref<128x16xf32, #tpu.memory_space<hbm>>)
        %dma_start3A_190 = arith.constant 0 : i32
        %dma_start3A_191 = tpu.memref_slice %arg5[%add3A_164, %dma_start3A_190] : memref<40x128xi32, #tpu.memory_space<vmem>> -> memref<1x128xi32, #tpu.memory_space<vmem>>
        %dma_start3A_192 = tpu.memref_squeeze %dma_start3A_191 : memref<1x128xi32, #tpu.memory_space<vmem>> -> memref<128xi32, #tpu.memory_space<vmem>>
        %dma_start3A_193 = arith.constant 0 : i32
        %dma_start3A_194 = arith.constant 0 : i32
        %dma_start3A_195 = tpu.memref_slice %arg2[%dma_start3A_193, %dma_start3A_194] : memref<10000x16xf32, #tpu.memory_space<hbm>> -> memref<10000x16xf32, #tpu.memory_space<hbm>>
        tpu.enqueue_indirect_dma source(%dma_start3A_195 : memref<10000x16xf32, #tpu.memory_space<hbm>>) target(%arg8 : memref<128x16xf32, #tpu.memory_space<vmem>>) offsets(%dma_start3A_192 : memref<128xi32, #tpu.memory_space<vmem>>) semaphore(%arg12 : memref<!tpu.dma_semaphore, #tpu.memory_space<semaphore_mem>>)
      } else {
      }
      %add3A_170 = arith.constant 1 : i32
      %add3A_171 = arith.addi %scan3A_63, %add3A_170 : i32
      %mul3A_172 = arith.constant 4 : i32
      %mul3A_173 = arith.muli %add3A_171, %mul3A_172 : i32
      %add3A_174 = arith.constant 3 : i32
      %add3A_175 = arith.addi %mul3A_173, %add3A_174 : i32
      %lt3A_176 = arith.constant 40 : i32
      %lt3A_177 = arith.cmpi slt, %add3A_175, %lt3A_176 : i32
      %convert_element_type3A_178 = arith.extui %lt3A_177 : i1 to i32
      %cond3A_179 = arith.constant 0 : i32
      %cond3A_180 = arith.cmpi ne, %convert_element_type3A_178, %cond3A_179 : i32
      scf.if %cond3A_180 {
        %mul3A_181 = arith.constant 5120 : i32
        %mul3A_182 = arith.muli %add3A, %mul3A_181 : i32
        %mul3A_183 = arith.constant 128 : i32
        %mul3A_184 = arith.muli %add3A_175, %mul3A_183 : i32
        %add3A_185 = arith.addi %mul3A_182, %mul3A_184 : i32
        %dma_wait3A_186 = arith.constant 0 : i32
        %dma_wait3A_187 = tpu.memref_slice %arg4[%add3A_185, %dma_wait3A_186] : memref<163840x16xf32, #tpu.memory_space<hbm>> -> memref<128x16xf32, #tpu.memory_space<hbm>>
        %dma_wait3A_188 = arith.constant 0 : i32
        %dma_wait3A_189 = tpu.memref_slice %arg4[%add3A_185, %dma_wait3A_188] : memref<163840x16xf32, #tpu.memory_space<hbm>> -> memref<128x16xf32, #tpu.memory_space<hbm>>
        tpu.wait_dma2 semaphore(%arg17 : memref<!tpu.dma_semaphore, #tpu.memory_space<semaphore_mem>>) src(%arg9 : memref<128x16xf32, #tpu.memory_space<vmem>>) dst(%dma_wait3A_189 : memref<128x16xf32, #tpu.memory_space<hbm>>)
        %dma_start3A_190 = arith.constant 0 : i32
        %dma_start3A_191 = tpu.memref_slice %arg5[%add3A_175, %dma_start3A_190] : memref<40x128xi32, #tpu.memory_space<vmem>> -> memref<1x128xi32, #tpu.memory_space<vmem>>
        %dma_start3A_192 = tpu.memref_squeeze %dma_start3A_191 : memref<1x128xi32, #tpu.memory_space<vmem>> -> memref<128xi32, #tpu.memory_space<vmem>>
        %dma_start3A_193 = arith.constant 0 : i32
        %dma_start3A_194 = arith.constant 0 : i32
        %dma_start3A_195 = tpu.memref_slice %arg2[%dma_start3A_193, %dma_start3A_194] : memref<10000x16xf32, #tpu.memory_space<hbm>> -> memref<10000x16xf32, #tpu.memory_space<hbm>>
        tpu.enqueue_indirect_dma source(%dma_start3A_195 : memref<10000x16xf32, #tpu.memory_space<hbm>>) target(%arg9 : memref<128x16xf32, #tpu.memory_space<vmem>>) offsets(%dma_start3A_192 : memref<128xi32, #tpu.memory_space<vmem>>) semaphore(%arg13 : memref<!tpu.dma_semaphore, #tpu.memory_space<semaphore_mem>>)
      } else {
      }
    }
    %scan3A_31 = arith.constant 10 : i32
    %mul3A_32 = arith.constant 5120 : i32
    %mul3A_33 = arith.muli %add3A, %mul3A_32 : i32
    %add3A_34 = arith.constant 4608 : i32
    %add3A_35 = arith.addi %mul3A_33, %add3A_34 : i32
    %dma_wait3A = arith.constant 0 : i32
    %dma_wait3A_36 = tpu.memref_slice %arg4[%add3A_35, %dma_wait3A] : memref<163840x16xf32, #tpu.memory_space<hbm>> -> memref<128x16xf32, #tpu.memory_space<hbm>>
    %dma_wait3A_37 = arith.constant 0 : i32
    %dma_wait3A_38 = tpu.memref_slice %arg4[%add3A_35, %dma_wait3A_37] : memref<163840x16xf32, #tpu.memory_space<hbm>> -> memref<128x16xf32, #tpu.memory_space<hbm>>
    tpu.wait_dma2 semaphore(%arg14 : memref<!tpu.dma_semaphore, #tpu.memory_space<semaphore_mem>>) src(%arg6 : memref<128x16xf32, #tpu.memory_space<vmem>>) dst(%dma_wait3A_38 : memref<128x16xf32, #tpu.memory_space<hbm>>)
    %mul3A_39 = arith.constant 5120 : i32
    %mul3A_40 = arith.muli %add3A, %mul3A_39 : i32
    %add3A_41 = arith.constant 4736 : i32
    %add3A_42 = arith.addi %mul3A_40, %add3A_41 : i32
    %dma_wait3A_43 = arith.constant 0 : i32
    %dma_wait3A_44 = tpu.memref_slice %arg4[%add3A_42, %dma_wait3A_43] : memref<163840x16xf32, #tpu.memory_space<hbm>> -> memref<128x16xf32, #tpu.memory_space<hbm>>
    %dma_wait3A_45 = arith.constant 0 : i32
    %dma_wait3A_46 = tpu.memref_slice %arg4[%add3A_42, %dma_wait3A_45] : memref<163840x16xf32, #tpu.memory_space<hbm>> -> memref<128x16xf32, #tpu.memory_space<hbm>>
    tpu.wait_dma2 semaphore(%arg15 : memref<!tpu.dma_semaphore, #tpu.memory_space<semaphore_mem>>) src(%arg7 : memref<128x16xf32, #tpu.memory_space<vmem>>) dst(%dma_wait3A_46 : memref<128x16xf32, #tpu.memory_space<hbm>>)
    %mul3A_47 = arith.constant 5120 : i32
    %mul3A_48 = arith.muli %add3A, %mul3A_47 : i32
    %add3A_49 = arith.constant 4864 : i32
    %add3A_50 = arith.addi %mul3A_48, %add3A_49 : i32
    %dma_wait3A_51 = arith.constant 0 : i32
    %dma_wait3A_52 = tpu.memref_slice %arg4[%add3A_50, %dma_wait3A_51] : memref<163840x16xf32, #tpu.memory_space<hbm>> -> memref<128x16xf32, #tpu.memory_space<hbm>>
    %dma_wait3A_53 = arith.constant 0 : i32
    %dma_wait3A_54 = tpu.memref_slice %arg4[%add3A_50, %dma_wait3A_53] : memref<163840x16xf32, #tpu.memory_space<hbm>> -> memref<128x16xf32, #tpu.memory_space<hbm>>
    tpu.wait_dma2 semaphore(%arg16 : memref<!tpu.dma_semaphore, #tpu.memory_space<semaphore_mem>>) src(%arg8 : memref<128x16xf32, #tpu.memory_space<vmem>>) dst(%dma_wait3A_54 : memref<128x16xf32, #tpu.memory_space<hbm>>)
    %mul3A_55 = arith.constant 5120 : i32
    %mul3A_56 = arith.muli %add3A, %mul3A_55 : i32
    %add3A_57 = arith.constant 4992 : i32
    %add3A_58 = arith.addi %mul3A_56, %add3A_57 : i32
    %dma_wait3A_59 = arith.constant 0 : i32
    %dma_wait3A_60 = tpu.memref_slice %arg4[%add3A_58, %dma_wait3A_59] : memref<163840x16xf32, #tpu.memory_space<hbm>> -> memref<128x16xf32, #tpu.memory_space<hbm>>
    %dma_wait3A_61 = arith.constant 0 : i32
    %dma_wait3A_62 = tpu.memref_slice %arg4[%add3A_58, %dma_wait3A_61] : memref<163840x16xf32, #tpu.memory_space<hbm>> -> memref<128x16xf32, #tpu.memory_space<hbm>>
    tpu.wait_dma2 semaphore(%arg17 : memref<!tpu.dma_semaphore, #tpu.memory_space<semaphore_mem>>) src(%arg9 : memref<128x16xf32, #tpu.memory_space<vmem>>) dst(%dma_wait3A_62 : memref<128x16xf32, #tpu.memory_space<hbm>>)
    return
  }
}

#map = affine_map<(d0, d1) -> (0, 0)>
#map1 = affine_map<(d0, d1) -> (0, 0, 0)>
module attributes {stable_mosaic.version = 14 : i64} {
  func.func @_sc_scatter(%arg0: i32, %arg1: i32, %arg2: memref<163840x16xf32, #tpu.memory_space<hbm>>, %arg3: memref<32x40x128xi32, #tpu.memory_space<hbm>>, %arg4: memref<10240x16xf32, #tpu.memory_space<hbm>>, %arg5: memref<2x10240x16xf32, #tpu.memory_space<hbm>>, %arg6: memref<40x128xi32, #tpu.memory_space<vmem>>, %arg7: memref<10240x16xf32, #tpu.memory_space<vmem_shared>>, %arg8: memref<128x16xf32, #tpu.memory_space<vmem>>, %arg9: memref<128x16xf32, #tpu.memory_space<vmem>>, %arg10: memref<128x16xf32, #tpu.memory_space<vmem>>, %arg11: memref<128x16xf32, #tpu.memory_space<vmem>>, %arg12: memref<!tpu.dma_semaphore, #tpu.memory_space<semaphore_mem>>, %arg13: memref<!tpu.dma_semaphore, #tpu.memory_space<semaphore_mem>>, %arg14: memref<!tpu.dma_semaphore, #tpu.memory_space<semaphore_mem>>, %arg15: memref<!tpu.dma_semaphore, #tpu.memory_space<semaphore_mem>>, %arg16: memref<!tpu.dma_semaphore, #tpu.memory_space<semaphore_mem>>, %arg17: memref<!tpu.dma_semaphore, #tpu.memory_space<semaphore_mem>>, %arg18: memref<!tpu.dma_semaphore, #tpu.memory_space<semaphore_mem>>, %arg19: memref<!tpu.dma_semaphore, #tpu.memory_space<semaphore_mem>>) attributes {dimension_semantics = [#tpu.dimension_semantics<core_parallel>, #tpu.dimension_semantics<subcore_parallel>], iteration_bounds = array<i64: 2, 16>, scalar_prefetch = 0 : i64, scratch_operands = 14 : i64, tpu.core_type = #tpu.core_type<sc_vector_subcore>, window_params = [{transform_indices = #map}, {transform_indices = #map1}, {transform_indices = #map}, {transform_indices = #map1}]} {
    %mul3A = arith.constant 2 : i32
    %mul3A_0 = arith.muli %arg1, %mul3A : i32
    %add3A = arith.addi %mul3A_0, %arg0 : i32
    %mul3A_1 = arith.constant 640 : i32
    %mul3A_2 = arith.muli %arg1, %mul3A_1 : i32
    %mul3A_3 = arith.constant 640 : i32
    %mul3A_4 = arith.muli %arg1, %mul3A_3 : i32
    "tpu.region"() ({
      %run_scoped3A = tpu.sem_alloc : memref<!tpu.dma_semaphore, #tpu.memory_space<semaphore_mem>>
      %dma_start3A_72 = arith.constant 0 : i32
      %dma_start3A_73 = tpu.memref_slice %arg7[%mul3A_4, %dma_start3A_72] : memref<10240x16xf32, #tpu.memory_space<vmem_shared>> -> memref<640x16xf32, #tpu.memory_space<vmem_shared>>
      %dma_start3A_74 = arith.constant 0 : i32
      %dma_start3A_75 = tpu.memref_slice %arg4[%mul3A_2, %dma_start3A_74] : memref<10240x16xf32, #tpu.memory_space<hbm>> -> memref<640x16xf32, #tpu.memory_space<hbm>>
      tpu.enqueue_dma source(%dma_start3A_75 : memref<640x16xf32, #tpu.memory_space<hbm>>) target(%dma_start3A_73 : memref<640x16xf32, #tpu.memory_space<vmem_shared>>) target_semaphore(%run_scoped3A : memref<!tpu.dma_semaphore, #tpu.memory_space<semaphore_mem>>)
      %dma_wait3A_76 = arith.constant 0 : i32
      %dma_wait3A_77 = tpu.memref_slice %arg7[%mul3A_4, %dma_wait3A_76] : memref<10240x16xf32, #tpu.memory_space<vmem_shared>> -> memref<640x16xf32, #tpu.memory_space<vmem_shared>>
      %dma_wait3A_78 = arith.constant 0 : i32
      %dma_wait3A_79 = tpu.memref_slice %arg4[%mul3A_2, %dma_wait3A_78] : memref<10240x16xf32, #tpu.memory_space<hbm>> -> memref<640x16xf32, #tpu.memory_space<hbm>>
      tpu.wait_dma2 semaphore(%run_scoped3A : memref<!tpu.dma_semaphore, #tpu.memory_space<semaphore_mem>>) src(%dma_wait3A_79 : memref<640x16xf32, #tpu.memory_space<hbm>>) dst(%dma_wait3A_77 : memref<640x16xf32, #tpu.memory_space<vmem_shared>>)
      tpu.yield
    }) : () -> ()
    "tpu.region"() ({
      %run_scoped3A = tpu.sem_alloc : memref<!tpu.dma_semaphore, #tpu.memory_space<semaphore_mem>>
      %dma_start3A_72 = arith.constant 0 : i32
      %dma_start3A_73 = arith.constant 0 : i32
      %dma_start3A_74 = tpu.memref_slice %arg3[%add3A, %dma_start3A_72, %dma_start3A_73] : memref<32x40x128xi32, #tpu.memory_space<hbm>> -> memref<1x40x128xi32, #tpu.memory_space<hbm>>
      %dma_start3A_75 = tpu.memref_squeeze %dma_start3A_74 : memref<1x40x128xi32, #tpu.memory_space<hbm>> -> memref<40x128xi32, #tpu.memory_space<hbm>>
      %dma_start3A_76 = arith.constant 0 : i32
      %dma_start3A_77 = arith.constant 0 : i32
      %dma_start3A_78 = tpu.memref_slice %arg3[%add3A, %dma_start3A_76, %dma_start3A_77] : memref<32x40x128xi32, #tpu.memory_space<hbm>> -> memref<1x40x128xi32, #tpu.memory_space<hbm>>
      %dma_start3A_79 = tpu.memref_squeeze %dma_start3A_78 : memref<1x40x128xi32, #tpu.memory_space<hbm>> -> memref<40x128xi32, #tpu.memory_space<hbm>>
      tpu.enqueue_dma source(%dma_start3A_79 : memref<40x128xi32, #tpu.memory_space<hbm>>) target(%arg6 : memref<40x128xi32, #tpu.memory_space<vmem>>) target_semaphore(%run_scoped3A : memref<!tpu.dma_semaphore, #tpu.memory_space<semaphore_mem>>)
      %dma_wait3A_80 = arith.constant 0 : i32
      %dma_wait3A_81 = arith.constant 0 : i32
      %dma_wait3A_82 = tpu.memref_slice %arg3[%add3A, %dma_wait3A_80, %dma_wait3A_81] : memref<32x40x128xi32, #tpu.memory_space<hbm>> -> memref<1x40x128xi32, #tpu.memory_space<hbm>>
      %dma_wait3A_83 = tpu.memref_squeeze %dma_wait3A_82 : memref<1x40x128xi32, #tpu.memory_space<hbm>> -> memref<40x128xi32, #tpu.memory_space<hbm>>
      %dma_wait3A_84 = arith.constant 0 : i32
      %dma_wait3A_85 = arith.constant 0 : i32
      %dma_wait3A_86 = tpu.memref_slice %arg3[%add3A, %dma_wait3A_84, %dma_wait3A_85] : memref<32x40x128xi32, #tpu.memory_space<hbm>> -> memref<1x40x128xi32, #tpu.memory_space<hbm>>
      %dma_wait3A_87 = tpu.memref_squeeze %dma_wait3A_86 : memref<1x40x128xi32, #tpu.memory_space<hbm>> -> memref<40x128xi32, #tpu.memory_space<hbm>>
      tpu.wait_dma2 semaphore(%run_scoped3A : memref<!tpu.dma_semaphore, #tpu.memory_space<semaphore_mem>>) src(%dma_wait3A_87 : memref<40x128xi32, #tpu.memory_space<hbm>>) dst(%arg6 : memref<40x128xi32, #tpu.memory_space<vmem>>)
      tpu.yield
    }) : () -> ()
    %barrier3A = arith.constant 0 : index
    tpu.barrier barrier_id(%barrier3A)
    %mul3A_5 = arith.constant 5120 : i32
    %mul3A_6 = arith.muli %add3A, %mul3A_5 : i32
    %add3A_7 = arith.constant 0 : i32
    %add3A_8 = arith.addi %mul3A_6, %add3A_7 : i32
    %dma_start3A = arith.constant 0 : i32
    %dma_start3A_9 = tpu.memref_slice %arg2[%add3A_8, %dma_start3A] : memref<163840x16xf32, #tpu.memory_space<hbm>> -> memref<128x16xf32, #tpu.memory_space<hbm>>
    %dma_start3A_10 = arith.constant 0 : i32
    %dma_start3A_11 = tpu.memref_slice %arg2[%add3A_8, %dma_start3A_10] : memref<163840x16xf32, #tpu.memory_space<hbm>> -> memref<128x16xf32, #tpu.memory_space<hbm>>
    tpu.enqueue_dma source(%dma_start3A_11 : memref<128x16xf32, #tpu.memory_space<hbm>>) target(%arg8 : memref<128x16xf32, #tpu.memory_space<vmem>>) target_semaphore(%arg12 : memref<!tpu.dma_semaphore, #tpu.memory_space<semaphore_mem>>)
    %mul3A_12 = arith.constant 5120 : i32
    %mul3A_13 = arith.muli %add3A, %mul3A_12 : i32
    %add3A_14 = arith.constant 128 : i32
    %add3A_15 = arith.addi %mul3A_13, %add3A_14 : i32
    %dma_start3A_16 = arith.constant 0 : i32
    %dma_start3A_17 = tpu.memref_slice %arg2[%add3A_15, %dma_start3A_16] : memref<163840x16xf32, #tpu.memory_space<hbm>> -> memref<128x16xf32, #tpu.memory_space<hbm>>
    %dma_start3A_18 = arith.constant 0 : i32
    %dma_start3A_19 = tpu.memref_slice %arg2[%add3A_15, %dma_start3A_18] : memref<163840x16xf32, #tpu.memory_space<hbm>> -> memref<128x16xf32, #tpu.memory_space<hbm>>
    tpu.enqueue_dma source(%dma_start3A_19 : memref<128x16xf32, #tpu.memory_space<hbm>>) target(%arg9 : memref<128x16xf32, #tpu.memory_space<vmem>>) target_semaphore(%arg13 : memref<!tpu.dma_semaphore, #tpu.memory_space<semaphore_mem>>)
    %mul3A_20 = arith.constant 5120 : i32
    %mul3A_21 = arith.muli %add3A, %mul3A_20 : i32
    %add3A_22 = arith.constant 256 : i32
    %add3A_23 = arith.addi %mul3A_21, %add3A_22 : i32
    %dma_start3A_24 = arith.constant 0 : i32
    %dma_start3A_25 = tpu.memref_slice %arg2[%add3A_23, %dma_start3A_24] : memref<163840x16xf32, #tpu.memory_space<hbm>> -> memref<128x16xf32, #tpu.memory_space<hbm>>
    %dma_start3A_26 = arith.constant 0 : i32
    %dma_start3A_27 = tpu.memref_slice %arg2[%add3A_23, %dma_start3A_26] : memref<163840x16xf32, #tpu.memory_space<hbm>> -> memref<128x16xf32, #tpu.memory_space<hbm>>
    tpu.enqueue_dma source(%dma_start3A_27 : memref<128x16xf32, #tpu.memory_space<hbm>>) target(%arg10 : memref<128x16xf32, #tpu.memory_space<vmem>>) target_semaphore(%arg14 : memref<!tpu.dma_semaphore, #tpu.memory_space<semaphore_mem>>)
    %mul3A_28 = arith.constant 5120 : i32
    %mul3A_29 = arith.muli %add3A, %mul3A_28 : i32
    %add3A_30 = arith.constant 384 : i32
    %add3A_31 = arith.addi %mul3A_29, %add3A_30 : i32
    %dma_start3A_32 = arith.constant 0 : i32
    %dma_start3A_33 = tpu.memref_slice %arg2[%add3A_31, %dma_start3A_32] : memref<163840x16xf32, #tpu.memory_space<hbm>> -> memref<128x16xf32, #tpu.memory_space<hbm>>
    %dma_start3A_34 = arith.constant 0 : i32
    %dma_start3A_35 = tpu.memref_slice %arg2[%add3A_31, %dma_start3A_34] : memref<163840x16xf32, #tpu.memory_space<hbm>> -> memref<128x16xf32, #tpu.memory_space<hbm>>
    tpu.enqueue_dma source(%dma_start3A_35 : memref<128x16xf32, #tpu.memory_space<hbm>>) target(%arg11 : memref<128x16xf32, #tpu.memory_space<vmem>>) target_semaphore(%arg15 : memref<!tpu.dma_semaphore, #tpu.memory_space<semaphore_mem>>)
    %scan3A = arith.constant 0 : i32
    %scan3A_36 = arith.constant 10 : i32
    %scan3A_37 = arith.addi %scan3A, %scan3A_36 : i32
    %scan3A_38 = arith.constant 1 : i32
    scf.for %scan3A_72 = %scan3A to %scan3A_37 step %scan3A_38  : i32 {
      %mul3A_73 = arith.constant 4 : i32
      %mul3A_74 = arith.muli %scan3A_72, %mul3A_73 : i32
      %add3A_75 = arith.constant 0 : i32
      %add3A_76 = arith.addi %mul3A_74, %add3A_75 : i32
      %mul3A_77 = arith.constant 5120 : i32
      %mul3A_78 = arith.muli %add3A, %mul3A_77 : i32
      %mul3A_79 = arith.constant 128 : i32
      %mul3A_80 = arith.muli %add3A_76, %mul3A_79 : i32
      %add3A_81 = arith.addi %mul3A_78, %mul3A_80 : i32
      %dma_wait3A_82 = arith.constant 0 : i32
      %dma_wait3A_83 = tpu.memref_slice %arg2[%add3A_81, %dma_wait3A_82] : memref<163840x16xf32, #tpu.memory_space<hbm>> -> memref<128x16xf32, #tpu.memory_space<hbm>>
      %dma_wait3A_84 = arith.constant 0 : i32
      %dma_wait3A_85 = tpu.memref_slice %arg2[%add3A_81, %dma_wait3A_84] : memref<163840x16xf32, #tpu.memory_space<hbm>> -> memref<128x16xf32, #tpu.memory_space<hbm>>
      tpu.wait_dma2 semaphore(%arg12 : memref<!tpu.dma_semaphore, #tpu.memory_space<semaphore_mem>>) src(%dma_wait3A_85 : memref<128x16xf32, #tpu.memory_space<hbm>>) dst(%arg8 : memref<128x16xf32, #tpu.memory_space<vmem>>)
      %dma_start3A_86 = arith.constant 0 : i32
      %dma_start3A_87 = tpu.memref_slice %arg6[%add3A_76, %dma_start3A_86] : memref<40x128xi32, #tpu.memory_space<vmem>> -> memref<1x128xi32, #tpu.memory_space<vmem>>
      %dma_start3A_88 = tpu.memref_squeeze %dma_start3A_87 : memref<1x128xi32, #tpu.memory_space<vmem>> -> memref<128xi32, #tpu.memory_space<vmem>>
      %dma_start3A_89 = arith.constant 0 : i32
      %dma_start3A_90 = arith.constant 0 : i32
      %dma_start3A_91 = tpu.memref_slice %arg7[%dma_start3A_89, %dma_start3A_90] : memref<10240x16xf32, #tpu.memory_space<vmem_shared>> -> memref<10240x16xf32, #tpu.memory_space<vmem_shared>>
      tpu.enqueue_indirect_dma source(%arg8 : memref<128x16xf32, #tpu.memory_space<vmem>>) target(%dma_start3A_91 : memref<10240x16xf32, #tpu.memory_space<vmem_shared>>) offsets(%dma_start3A_88 : memref<128xi32, #tpu.memory_space<vmem>>) semaphore(%arg16 : memref<!tpu.dma_semaphore, #tpu.memory_space<semaphore_mem>>) {add = true}
      %mul3A_92 = arith.constant 4 : i32
      %mul3A_93 = arith.muli %scan3A_72, %mul3A_92 : i32
      %add3A_94 = arith.constant 1 : i32
      %add3A_95 = arith.addi %mul3A_93, %add3A_94 : i32
      %mul3A_96 = arith.constant 5120 : i32
      %mul3A_97 = arith.muli %add3A, %mul3A_96 : i32
      %mul3A_98 = arith.constant 128 : i32
      %mul3A_99 = arith.muli %add3A_95, %mul3A_98 : i32
      %add3A_100 = arith.addi %mul3A_97, %mul3A_99 : i32
      %dma_wait3A_101 = arith.constant 0 : i32
      %dma_wait3A_102 = tpu.memref_slice %arg2[%add3A_100, %dma_wait3A_101] : memref<163840x16xf32, #tpu.memory_space<hbm>> -> memref<128x16xf32, #tpu.memory_space<hbm>>
      %dma_wait3A_103 = arith.constant 0 : i32
      %dma_wait3A_104 = tpu.memref_slice %arg2[%add3A_100, %dma_wait3A_103] : memref<163840x16xf32, #tpu.memory_space<hbm>> -> memref<128x16xf32, #tpu.memory_space<hbm>>
      tpu.wait_dma2 semaphore(%arg13 : memref<!tpu.dma_semaphore, #tpu.memory_space<semaphore_mem>>) src(%dma_wait3A_104 : memref<128x16xf32, #tpu.memory_space<hbm>>) dst(%arg9 : memref<128x16xf32, #tpu.memory_space<vmem>>)
      %dma_start3A_105 = arith.constant 0 : i32
      %dma_start3A_106 = tpu.memref_slice %arg6[%add3A_95, %dma_start3A_105] : memref<40x128xi32, #tpu.memory_space<vmem>> -> memref<1x128xi32, #tpu.memory_space<vmem>>
      %dma_start3A_107 = tpu.memref_squeeze %dma_start3A_106 : memref<1x128xi32, #tpu.memory_space<vmem>> -> memref<128xi32, #tpu.memory_space<vmem>>
      %dma_start3A_108 = arith.constant 0 : i32
      %dma_start3A_109 = arith.constant 0 : i32
      %dma_start3A_110 = tpu.memref_slice %arg7[%dma_start3A_108, %dma_start3A_109] : memref<10240x16xf32, #tpu.memory_space<vmem_shared>> -> memref<10240x16xf32, #tpu.memory_space<vmem_shared>>
      tpu.enqueue_indirect_dma source(%arg9 : memref<128x16xf32, #tpu.memory_space<vmem>>) target(%dma_start3A_110 : memref<10240x16xf32, #tpu.memory_space<vmem_shared>>) offsets(%dma_start3A_107 : memref<128xi32, #tpu.memory_space<vmem>>) semaphore(%arg17 : memref<!tpu.dma_semaphore, #tpu.memory_space<semaphore_mem>>) {add = true}
      %mul3A_111 = arith.constant 4 : i32
      %mul3A_112 = arith.muli %scan3A_72, %mul3A_111 : i32
      %add3A_113 = arith.constant 2 : i32
      %add3A_114 = arith.addi %mul3A_112, %add3A_113 : i32
      %mul3A_115 = arith.constant 5120 : i32
      %mul3A_116 = arith.muli %add3A, %mul3A_115 : i32
      %mul3A_117 = arith.constant 128 : i32
      %mul3A_118 = arith.muli %add3A_114, %mul3A_117 : i32
      %add3A_119 = arith.addi %mul3A_116, %mul3A_118 : i32
      %dma_wait3A_120 = arith.constant 0 : i32
      %dma_wait3A_121 = tpu.memref_slice %arg2[%add3A_119, %dma_wait3A_120] : memref<163840x16xf32, #tpu.memory_space<hbm>> -> memref<128x16xf32, #tpu.memory_space<hbm>>
      %dma_wait3A_122 = arith.constant 0 : i32
      %dma_wait3A_123 = tpu.memref_slice %arg2[%add3A_119, %dma_wait3A_122] : memref<163840x16xf32, #tpu.memory_space<hbm>> -> memref<128x16xf32, #tpu.memory_space<hbm>>
      tpu.wait_dma2 semaphore(%arg14 : memref<!tpu.dma_semaphore, #tpu.memory_space<semaphore_mem>>) src(%dma_wait3A_123 : memref<128x16xf32, #tpu.memory_space<hbm>>) dst(%arg10 : memref<128x16xf32, #tpu.memory_space<vmem>>)
      %dma_start3A_124 = arith.constant 0 : i32
      %dma_start3A_125 = tpu.memref_slice %arg6[%add3A_114, %dma_start3A_124] : memref<40x128xi32, #tpu.memory_space<vmem>> -> memref<1x128xi32, #tpu.memory_space<vmem>>
      %dma_start3A_126 = tpu.memref_squeeze %dma_start3A_125 : memref<1x128xi32, #tpu.memory_space<vmem>> -> memref<128xi32, #tpu.memory_space<vmem>>
      %dma_start3A_127 = arith.constant 0 : i32
      %dma_start3A_128 = arith.constant 0 : i32
      %dma_start3A_129 = tpu.memref_slice %arg7[%dma_start3A_127, %dma_start3A_128] : memref<10240x16xf32, #tpu.memory_space<vmem_shared>> -> memref<10240x16xf32, #tpu.memory_space<vmem_shared>>
      tpu.enqueue_indirect_dma source(%arg10 : memref<128x16xf32, #tpu.memory_space<vmem>>) target(%dma_start3A_129 : memref<10240x16xf32, #tpu.memory_space<vmem_shared>>) offsets(%dma_start3A_126 : memref<128xi32, #tpu.memory_space<vmem>>) semaphore(%arg18 : memref<!tpu.dma_semaphore, #tpu.memory_space<semaphore_mem>>) {add = true}
      %mul3A_130 = arith.constant 4 : i32
      %mul3A_131 = arith.muli %scan3A_72, %mul3A_130 : i32
      %add3A_132 = arith.constant 3 : i32
      %add3A_133 = arith.addi %mul3A_131, %add3A_132 : i32
      %mul3A_134 = arith.constant 5120 : i32
      %mul3A_135 = arith.muli %add3A, %mul3A_134 : i32
      %mul3A_136 = arith.constant 128 : i32
      %mul3A_137 = arith.muli %add3A_133, %mul3A_136 : i32
      %add3A_138 = arith.addi %mul3A_135, %mul3A_137 : i32
      %dma_wait3A_139 = arith.constant 0 : i32
      %dma_wait3A_140 = tpu.memref_slice %arg2[%add3A_138, %dma_wait3A_139] : memref<163840x16xf32, #tpu.memory_space<hbm>> -> memref<128x16xf32, #tpu.memory_space<hbm>>
      %dma_wait3A_141 = arith.constant 0 : i32
      %dma_wait3A_142 = tpu.memref_slice %arg2[%add3A_138, %dma_wait3A_141] : memref<163840x16xf32, #tpu.memory_space<hbm>> -> memref<128x16xf32, #tpu.memory_space<hbm>>
      tpu.wait_dma2 semaphore(%arg15 : memref<!tpu.dma_semaphore, #tpu.memory_space<semaphore_mem>>) src(%dma_wait3A_142 : memref<128x16xf32, #tpu.memory_space<hbm>>) dst(%arg11 : memref<128x16xf32, #tpu.memory_space<vmem>>)
      %dma_start3A_143 = arith.constant 0 : i32
      %dma_start3A_144 = tpu.memref_slice %arg6[%add3A_133, %dma_start3A_143] : memref<40x128xi32, #tpu.memory_space<vmem>> -> memref<1x128xi32, #tpu.memory_space<vmem>>
      %dma_start3A_145 = tpu.memref_squeeze %dma_start3A_144 : memref<1x128xi32, #tpu.memory_space<vmem>> -> memref<128xi32, #tpu.memory_space<vmem>>
      %dma_start3A_146 = arith.constant 0 : i32
      %dma_start3A_147 = arith.constant 0 : i32
      %dma_start3A_148 = tpu.memref_slice %arg7[%dma_start3A_146, %dma_start3A_147] : memref<10240x16xf32, #tpu.memory_space<vmem_shared>> -> memref<10240x16xf32, #tpu.memory_space<vmem_shared>>
      tpu.enqueue_indirect_dma source(%arg11 : memref<128x16xf32, #tpu.memory_space<vmem>>) target(%dma_start3A_148 : memref<10240x16xf32, #tpu.memory_space<vmem_shared>>) offsets(%dma_start3A_145 : memref<128xi32, #tpu.memory_space<vmem>>) semaphore(%arg19 : memref<!tpu.dma_semaphore, #tpu.memory_space<semaphore_mem>>) {add = true}
      %add3A_149 = arith.constant 1 : i32
      %add3A_150 = arith.addi %scan3A_72, %add3A_149 : i32
      %mul3A_151 = arith.constant 4 : i32
      %mul3A_152 = arith.muli %add3A_150, %mul3A_151 : i32
      %add3A_153 = arith.constant 0 : i32
      %add3A_154 = arith.addi %mul3A_152, %add3A_153 : i32
      %lt3A = arith.constant 40 : i32
      %lt3A_155 = arith.cmpi slt, %add3A_154, %lt3A : i32
      %convert_element_type3A = arith.extui %lt3A_155 : i1 to i32
      %cond3A = arith.constant 0 : i32
      %cond3A_156 = arith.cmpi ne, %convert_element_type3A, %cond3A : i32
      scf.if %cond3A_156 {
        %dma_wait3A_190 = arith.constant 0 : i32
        %dma_wait3A_191 = tpu.memref_slice %arg6[%add3A_154, %dma_wait3A_190] : memref<40x128xi32, #tpu.memory_space<vmem>> -> memref<1x128xi32, #tpu.memory_space<vmem>>
        %dma_wait3A_192 = tpu.memref_squeeze %dma_wait3A_191 : memref<1x128xi32, #tpu.memory_space<vmem>> -> memref<128xi32, #tpu.memory_space<vmem>>
        %dma_wait3A_193 = arith.constant 0 : i32
        %dma_wait3A_194 = arith.constant 0 : i32
        %dma_wait3A_195 = tpu.memref_slice %arg7[%dma_wait3A_193, %dma_wait3A_194] : memref<10240x16xf32, #tpu.memory_space<vmem_shared>> -> memref<10240x16xf32, #tpu.memory_space<vmem_shared>>
        tpu.wait_indirect_dma semaphore(%arg16 : memref<!tpu.dma_semaphore, #tpu.memory_space<semaphore_mem>>) src(%arg8 : memref<128x16xf32, #tpu.memory_space<vmem>>) dst(%dma_wait3A_195 : memref<10240x16xf32, #tpu.memory_space<vmem_shared>>)
        %mul3A_196 = arith.constant 5120 : i32
        %mul3A_197 = arith.muli %add3A, %mul3A_196 : i32
        %mul3A_198 = arith.constant 128 : i32
        %mul3A_199 = arith.muli %add3A_154, %mul3A_198 : i32
        %add3A_200 = arith.addi %mul3A_197, %mul3A_199 : i32
        %dma_start3A_201 = arith.constant 0 : i32
        %dma_start3A_202 = tpu.memref_slice %arg2[%add3A_200, %dma_start3A_201] : memref<163840x16xf32, #tpu.memory_space<hbm>> -> memref<128x16xf32, #tpu.memory_space<hbm>>
        %dma_start3A_203 = arith.constant 0 : i32
        %dma_start3A_204 = tpu.memref_slice %arg2[%add3A_200, %dma_start3A_203] : memref<163840x16xf32, #tpu.memory_space<hbm>> -> memref<128x16xf32, #tpu.memory_space<hbm>>
        tpu.enqueue_dma source(%dma_start3A_204 : memref<128x16xf32, #tpu.memory_space<hbm>>) target(%arg8 : memref<128x16xf32, #tpu.memory_space<vmem>>) target_semaphore(%arg12 : memref<!tpu.dma_semaphore, #tpu.memory_space<semaphore_mem>>)
      } else {
      }
      %add3A_157 = arith.constant 1 : i32
      %add3A_158 = arith.addi %scan3A_72, %add3A_157 : i32
      %mul3A_159 = arith.constant 4 : i32
      %mul3A_160 = arith.muli %add3A_158, %mul3A_159 : i32
      %add3A_161 = arith.constant 1 : i32
      %add3A_162 = arith.addi %mul3A_160, %add3A_161 : i32
      %lt3A_163 = arith.constant 40 : i32
      %lt3A_164 = arith.cmpi slt, %add3A_162, %lt3A_163 : i32
      %convert_element_type3A_165 = arith.extui %lt3A_164 : i1 to i32
      %cond3A_166 = arith.constant 0 : i32
      %cond3A_167 = arith.cmpi ne, %convert_element_type3A_165, %cond3A_166 : i32
      scf.if %cond3A_167 {
        %dma_wait3A_190 = arith.constant 0 : i32
        %dma_wait3A_191 = tpu.memref_slice %arg6[%add3A_162, %dma_wait3A_190] : memref<40x128xi32, #tpu.memory_space<vmem>> -> memref<1x128xi32, #tpu.memory_space<vmem>>
        %dma_wait3A_192 = tpu.memref_squeeze %dma_wait3A_191 : memref<1x128xi32, #tpu.memory_space<vmem>> -> memref<128xi32, #tpu.memory_space<vmem>>
        %dma_wait3A_193 = arith.constant 0 : i32
        %dma_wait3A_194 = arith.constant 0 : i32
        %dma_wait3A_195 = tpu.memref_slice %arg7[%dma_wait3A_193, %dma_wait3A_194] : memref<10240x16xf32, #tpu.memory_space<vmem_shared>> -> memref<10240x16xf32, #tpu.memory_space<vmem_shared>>
        tpu.wait_indirect_dma semaphore(%arg17 : memref<!tpu.dma_semaphore, #tpu.memory_space<semaphore_mem>>) src(%arg9 : memref<128x16xf32, #tpu.memory_space<vmem>>) dst(%dma_wait3A_195 : memref<10240x16xf32, #tpu.memory_space<vmem_shared>>)
        %mul3A_196 = arith.constant 5120 : i32
        %mul3A_197 = arith.muli %add3A, %mul3A_196 : i32
        %mul3A_198 = arith.constant 128 : i32
        %mul3A_199 = arith.muli %add3A_162, %mul3A_198 : i32
        %add3A_200 = arith.addi %mul3A_197, %mul3A_199 : i32
        %dma_start3A_201 = arith.constant 0 : i32
        %dma_start3A_202 = tpu.memref_slice %arg2[%add3A_200, %dma_start3A_201] : memref<163840x16xf32, #tpu.memory_space<hbm>> -> memref<128x16xf32, #tpu.memory_space<hbm>>
        %dma_start3A_203 = arith.constant 0 : i32
        %dma_start3A_204 = tpu.memref_slice %arg2[%add3A_200, %dma_start3A_203] : memref<163840x16xf32, #tpu.memory_space<hbm>> -> memref<128x16xf32, #tpu.memory_space<hbm>>
        tpu.enqueue_dma source(%dma_start3A_204 : memref<128x16xf32, #tpu.memory_space<hbm>>) target(%arg9 : memref<128x16xf32, #tpu.memory_space<vmem>>) target_semaphore(%arg13 : memref<!tpu.dma_semaphore, #tpu.memory_space<semaphore_mem>>)
      } else {
      }
      %add3A_168 = arith.constant 1 : i32
      %add3A_169 = arith.addi %scan3A_72, %add3A_168 : i32
      %mul3A_170 = arith.constant 4 : i32
      %mul3A_171 = arith.muli %add3A_169, %mul3A_170 : i32
      %add3A_172 = arith.constant 2 : i32
      %add3A_173 = arith.addi %mul3A_171, %add3A_172 : i32
      %lt3A_174 = arith.constant 40 : i32
      %lt3A_175 = arith.cmpi slt, %add3A_173, %lt3A_174 : i32
      %convert_element_type3A_176 = arith.extui %lt3A_175 : i1 to i32
      %cond3A_177 = arith.constant 0 : i32
      %cond3A_178 = arith.cmpi ne, %convert_element_type3A_176, %cond3A_177 : i32
      scf.if %cond3A_178 {
        %dma_wait3A_190 = arith.constant 0 : i32
        %dma_wait3A_191 = tpu.memref_slice %arg6[%add3A_173, %dma_wait3A_190] : memref<40x128xi32, #tpu.memory_space<vmem>> -> memref<1x128xi32, #tpu.memory_space<vmem>>
        %dma_wait3A_192 = tpu.memref_squeeze %dma_wait3A_191 : memref<1x128xi32, #tpu.memory_space<vmem>> -> memref<128xi32, #tpu.memory_space<vmem>>
        %dma_wait3A_193 = arith.constant 0 : i32
        %dma_wait3A_194 = arith.constant 0 : i32
        %dma_wait3A_195 = tpu.memref_slice %arg7[%dma_wait3A_193, %dma_wait3A_194] : memref<10240x16xf32, #tpu.memory_space<vmem_shared>> -> memref<10240x16xf32, #tpu.memory_space<vmem_shared>>
        tpu.wait_indirect_dma semaphore(%arg18 : memref<!tpu.dma_semaphore, #tpu.memory_space<semaphore_mem>>) src(%arg10 : memref<128x16xf32, #tpu.memory_space<vmem>>) dst(%dma_wait3A_195 : memref<10240x16xf32, #tpu.memory_space<vmem_shared>>)
        %mul3A_196 = arith.constant 5120 : i32
        %mul3A_197 = arith.muli %add3A, %mul3A_196 : i32
        %mul3A_198 = arith.constant 128 : i32
        %mul3A_199 = arith.muli %add3A_173, %mul3A_198 : i32
        %add3A_200 = arith.addi %mul3A_197, %mul3A_199 : i32
        %dma_start3A_201 = arith.constant 0 : i32
        %dma_start3A_202 = tpu.memref_slice %arg2[%add3A_200, %dma_start3A_201] : memref<163840x16xf32, #tpu.memory_space<hbm>> -> memref<128x16xf32, #tpu.memory_space<hbm>>
        %dma_start3A_203 = arith.constant 0 : i32
        %dma_start3A_204 = tpu.memref_slice %arg2[%add3A_200, %dma_start3A_203] : memref<163840x16xf32, #tpu.memory_space<hbm>> -> memref<128x16xf32, #tpu.memory_space<hbm>>
        tpu.enqueue_dma source(%dma_start3A_204 : memref<128x16xf32, #tpu.memory_space<hbm>>) target(%arg10 : memref<128x16xf32, #tpu.memory_space<vmem>>) target_semaphore(%arg14 : memref<!tpu.dma_semaphore, #tpu.memory_space<semaphore_mem>>)
      } else {
      }
      %add3A_179 = arith.constant 1 : i32
      %add3A_180 = arith.addi %scan3A_72, %add3A_179 : i32
      %mul3A_181 = arith.constant 4 : i32
      %mul3A_182 = arith.muli %add3A_180, %mul3A_181 : i32
      %add3A_183 = arith.constant 3 : i32
      %add3A_184 = arith.addi %mul3A_182, %add3A_183 : i32
      %lt3A_185 = arith.constant 40 : i32
      %lt3A_186 = arith.cmpi slt, %add3A_184, %lt3A_185 : i32
      %convert_element_type3A_187 = arith.extui %lt3A_186 : i1 to i32
      %cond3A_188 = arith.constant 0 : i32
      %cond3A_189 = arith.cmpi ne, %convert_element_type3A_187, %cond3A_188 : i32
      scf.if %cond3A_189 {
        %dma_wait3A_190 = arith.constant 0 : i32
        %dma_wait3A_191 = tpu.memref_slice %arg6[%add3A_184, %dma_wait3A_190] : memref<40x128xi32, #tpu.memory_space<vmem>> -> memref<1x128xi32, #tpu.memory_space<vmem>>
        %dma_wait3A_192 = tpu.memref_squeeze %dma_wait3A_191 : memref<1x128xi32, #tpu.memory_space<vmem>> -> memref<128xi32, #tpu.memory_space<vmem>>
        %dma_wait3A_193 = arith.constant 0 : i32
        %dma_wait3A_194 = arith.constant 0 : i32
        %dma_wait3A_195 = tpu.memref_slice %arg7[%dma_wait3A_193, %dma_wait3A_194] : memref<10240x16xf32, #tpu.memory_space<vmem_shared>> -> memref<10240x16xf32, #tpu.memory_space<vmem_shared>>
        tpu.wait_indirect_dma semaphore(%arg19 : memref<!tpu.dma_semaphore, #tpu.memory_space<semaphore_mem>>) src(%arg11 : memref<128x16xf32, #tpu.memory_space<vmem>>) dst(%dma_wait3A_195 : memref<10240x16xf32, #tpu.memory_space<vmem_shared>>)
        %mul3A_196 = arith.constant 5120 : i32
        %mul3A_197 = arith.muli %add3A, %mul3A_196 : i32
        %mul3A_198 = arith.constant 128 : i32
        %mul3A_199 = arith.muli %add3A_184, %mul3A_198 : i32
        %add3A_200 = arith.addi %mul3A_197, %mul3A_199 : i32
        %dma_start3A_201 = arith.constant 0 : i32
        %dma_start3A_202 = tpu.memref_slice %arg2[%add3A_200, %dma_start3A_201] : memref<163840x16xf32, #tpu.memory_space<hbm>> -> memref<128x16xf32, #tpu.memory_space<hbm>>
        %dma_start3A_203 = arith.constant 0 : i32
        %dma_start3A_204 = tpu.memref_slice %arg2[%add3A_200, %dma_start3A_203] : memref<163840x16xf32, #tpu.memory_space<hbm>> -> memref<128x16xf32, #tpu.memory_space<hbm>>
        tpu.enqueue_dma source(%dma_start3A_204 : memref<128x16xf32, #tpu.memory_space<hbm>>) target(%arg11 : memref<128x16xf32, #tpu.memory_space<vmem>>) target_semaphore(%arg15 : memref<!tpu.dma_semaphore, #tpu.memory_space<semaphore_mem>>)
      } else {
      }
    }
    %scan3A_39 = arith.constant 10 : i32
    %dma_wait3A = arith.constant 36 : i32
    %dma_wait3A_40 = arith.constant 0 : i32
    %dma_wait3A_41 = tpu.memref_slice %arg6[%dma_wait3A, %dma_wait3A_40] : memref<40x128xi32, #tpu.memory_space<vmem>> -> memref<1x128xi32, #tpu.memory_space<vmem>>
    %dma_wait3A_42 = tpu.memref_squeeze %dma_wait3A_41 : memref<1x128xi32, #tpu.memory_space<vmem>> -> memref<128xi32, #tpu.memory_space<vmem>>
    %dma_wait3A_43 = arith.constant 0 : i32
    %dma_wait3A_44 = arith.constant 0 : i32
    %dma_wait3A_45 = tpu.memref_slice %arg7[%dma_wait3A_43, %dma_wait3A_44] : memref<10240x16xf32, #tpu.memory_space<vmem_shared>> -> memref<10240x16xf32, #tpu.memory_space<vmem_shared>>
    tpu.wait_indirect_dma semaphore(%arg16 : memref<!tpu.dma_semaphore, #tpu.memory_space<semaphore_mem>>) src(%arg8 : memref<128x16xf32, #tpu.memory_space<vmem>>) dst(%dma_wait3A_45 : memref<10240x16xf32, #tpu.memory_space<vmem_shared>>)
    %dma_wait3A_46 = arith.constant 37 : i32
    %dma_wait3A_47 = arith.constant 0 : i32
    %dma_wait3A_48 = tpu.memref_slice %arg6[%dma_wait3A_46, %dma_wait3A_47] : memref<40x128xi32, #tpu.memory_space<vmem>> -> memref<1x128xi32, #tpu.memory_space<vmem>>
    %dma_wait3A_49 = tpu.memref_squeeze %dma_wait3A_48 : memref<1x128xi32, #tpu.memory_space<vmem>> -> memref<128xi32, #tpu.memory_space<vmem>>
    %dma_wait3A_50 = arith.constant 0 : i32
    %dma_wait3A_51 = arith.constant 0 : i32
    %dma_wait3A_52 = tpu.memref_slice %arg7[%dma_wait3A_50, %dma_wait3A_51] : memref<10240x16xf32, #tpu.memory_space<vmem_shared>> -> memref<10240x16xf32, #tpu.memory_space<vmem_shared>>
    tpu.wait_indirect_dma semaphore(%arg17 : memref<!tpu.dma_semaphore, #tpu.memory_space<semaphore_mem>>) src(%arg9 : memref<128x16xf32, #tpu.memory_space<vmem>>) dst(%dma_wait3A_52 : memref<10240x16xf32, #tpu.memory_space<vmem_shared>>)
    %dma_wait3A_53 = arith.constant 38 : i32
    %dma_wait3A_54 = arith.constant 0 : i32
    %dma_wait3A_55 = tpu.memref_slice %arg6[%dma_wait3A_53, %dma_wait3A_54] : memref<40x128xi32, #tpu.memory_space<vmem>> -> memref<1x128xi32, #tpu.memory_space<vmem>>
    %dma_wait3A_56 = tpu.memref_squeeze %dma_wait3A_55 : memref<1x128xi32, #tpu.memory_space<vmem>> -> memref<128xi32, #tpu.memory_space<vmem>>
    %dma_wait3A_57 = arith.constant 0 : i32
    %dma_wait3A_58 = arith.constant 0 : i32
    %dma_wait3A_59 = tpu.memref_slice %arg7[%dma_wait3A_57, %dma_wait3A_58] : memref<10240x16xf32, #tpu.memory_space<vmem_shared>> -> memref<10240x16xf32, #tpu.memory_space<vmem_shared>>
    tpu.wait_indirect_dma semaphore(%arg18 : memref<!tpu.dma_semaphore, #tpu.memory_space<semaphore_mem>>) src(%arg10 : memref<128x16xf32, #tpu.memory_space<vmem>>) dst(%dma_wait3A_59 : memref<10240x16xf32, #tpu.memory_space<vmem_shared>>)
    %dma_wait3A_60 = arith.constant 39 : i32
    %dma_wait3A_61 = arith.constant 0 : i32
    %dma_wait3A_62 = tpu.memref_slice %arg6[%dma_wait3A_60, %dma_wait3A_61] : memref<40x128xi32, #tpu.memory_space<vmem>> -> memref<1x128xi32, #tpu.memory_space<vmem>>
    %dma_wait3A_63 = tpu.memref_squeeze %dma_wait3A_62 : memref<1x128xi32, #tpu.memory_space<vmem>> -> memref<128xi32, #tpu.memory_space<vmem>>
    %dma_wait3A_64 = arith.constant 0 : i32
    %dma_wait3A_65 = arith.constant 0 : i32
    %dma_wait3A_66 = tpu.memref_slice %arg7[%dma_wait3A_64, %dma_wait3A_65] : memref<10240x16xf32, #tpu.memory_space<vmem_shared>> -> memref<10240x16xf32, #tpu.memory_space<vmem_shared>>
    tpu.wait_indirect_dma semaphore(%arg19 : memref<!tpu.dma_semaphore, #tpu.memory_space<semaphore_mem>>) src(%arg11 : memref<128x16xf32, #tpu.memory_space<vmem>>) dst(%dma_wait3A_66 : memref<10240x16xf32, #tpu.memory_space<vmem_shared>>)
    %barrier3A_67 = arith.constant 0 : index
    tpu.barrier barrier_id(%barrier3A_67)
    %mul3A_68 = arith.constant 640 : i32
    %mul3A_69 = arith.muli %arg1, %mul3A_68 : i32
    %mul3A_70 = arith.constant 640 : i32
    %mul3A_71 = arith.muli %arg1, %mul3A_70 : i32
    "tpu.region"() ({
      %run_scoped3A = tpu.sem_alloc : memref<!tpu.dma_semaphore, #tpu.memory_space<semaphore_mem>>
      %dma_start3A_72 = arith.constant 0 : i32
      %dma_start3A_73 = tpu.memref_slice %arg5[%arg0, %mul3A_71, %dma_start3A_72] : memref<2x10240x16xf32, #tpu.memory_space<hbm>> -> memref<1x640x16xf32, #tpu.memory_space<hbm>>
      %dma_start3A_74 = tpu.memref_squeeze %dma_start3A_73 : memref<1x640x16xf32, #tpu.memory_space<hbm>> -> memref<640x16xf32, #tpu.memory_space<hbm>>
      %dma_start3A_75 = arith.constant 0 : i32
      %dma_start3A_76 = tpu.memref_slice %arg7[%mul3A_69, %dma_start3A_75] : memref<10240x16xf32, #tpu.memory_space<vmem_shared>> -> memref<640x16xf32, #tpu.memory_space<vmem_shared>>
      tpu.enqueue_dma source(%dma_start3A_76 : memref<640x16xf32, #tpu.memory_space<vmem_shared>>) target(%dma_start3A_74 : memref<640x16xf32, #tpu.memory_space<hbm>>) target_semaphore(%run_scoped3A : memref<!tpu.dma_semaphore, #tpu.memory_space<semaphore_mem>>)
      %dma_wait3A_77 = arith.constant 0 : i32
      %dma_wait3A_78 = tpu.memref_slice %arg5[%arg0, %mul3A_71, %dma_wait3A_77] : memref<2x10240x16xf32, #tpu.memory_space<hbm>> -> memref<1x640x16xf32, #tpu.memory_space<hbm>>
      %dma_wait3A_79 = tpu.memref_squeeze %dma_wait3A_78 : memref<1x640x16xf32, #tpu.memory_space<hbm>> -> memref<640x16xf32, #tpu.memory_space<hbm>>
      %dma_wait3A_80 = arith.constant 0 : i32
      %dma_wait3A_81 = tpu.memref_slice %arg7[%mul3A_69, %dma_wait3A_80] : memref<10240x16xf32, #tpu.memory_space<vmem_shared>> -> memref<640x16xf32, #tpu.memory_space<vmem_shared>>
      tpu.wait_dma2 semaphore(%run_scoped3A : memref<!tpu.dma_semaphore, #tpu.memory_space<semaphore_mem>>) src(%dma_wait3A_81 : memref<640x16xf32, #tpu.memory_space<vmem_shared>>) dst(%dma_wait3A_79 : memref<640x16xf32, #tpu.memory_space<hbm>>)
      tpu.yield
    }) : () -> ()
    return
  }
}

module attributes {stable_mosaic.version = 14 : i64} {
  func.func @_edge_body(%arg0: i32, %arg1: memref<3x1024x8xf32, #tpu.memory_space<vmem>>, %arg2: memref<1024x128xf32, #tpu.memory_space<vmem>>, %arg3: memref<1x128xf32, #tpu.memory_space<vmem>>, %arg4: memref<128x96xf32, #tpu.memory_space<vmem>>, %arg5: memref<1x96xf32, #tpu.memory_space<vmem>>, %arg6: memref<96x2048xf32, #tpu.memory_space<vmem>>, %arg7: memref<1x2048xf32, #tpu.memory_space<vmem>>, %arg8: memref<128x128xf32, #tpu.memory_space<vmem>>, %arg9: memref<2048x128xf32, #tpu.memory_space<vmem>>, %arg10: memref<1024x128xf32, #tpu.memory_space<vmem>>) attributes {dimension_semantics = [#tpu.dimension_semantics<arbitrary>], iteration_bounds = array<i64: 20>, scalar_prefetch = 0 : i64, scratch_operands = 0 : i64, tpu.core_type = #tpu.core_type<tc>, window_params = [{transform_indices = @transform_0, window_bounds = array<i64: 3, 1024, 8>}, {transform_indices = @transform_1, window_bounds = array<i64: 1024, 128>}, {pipeline_mode = #tpu.pipeline_mode<synchronous>, transform_indices = @transform_2, window_bounds = array<i64: 1, 128>}, {pipeline_mode = #tpu.pipeline_mode<synchronous>, transform_indices = @transform_3, window_bounds = array<i64: 128, 96>}, {pipeline_mode = #tpu.pipeline_mode<synchronous>, transform_indices = @transform_4, window_bounds = array<i64: 1, 96>}, {pipeline_mode = #tpu.pipeline_mode<synchronous>, transform_indices = @transform_5, window_bounds = array<i64: 96, 2048>}, {pipeline_mode = #tpu.pipeline_mode<synchronous>, transform_indices = @transform_6, window_bounds = array<i64: 1, 2048>}, {pipeline_mode = #tpu.pipeline_mode<synchronous>, transform_indices = @transform_7, window_bounds = array<i64: 128, 128>}, {pipeline_mode = #tpu.pipeline_mode<synchronous>, transform_indices = @transform_8, window_bounds = array<i64: 2048, 128>}, {transform_indices = @transform_9, window_bounds = array<i64: 1024, 128>}]} {
    %get3A = arith.constant 0 : index
    %get3A_0 = arith.constant 0 : index
    %get3A_1 = arith.constant 0 : index
    %get3A_2 = vector.load %arg1[%get3A, %get3A_0, %get3A_1] : memref<3x1024x8xf32, #tpu.memory_space<vmem>>, vector<1x1024x8xf32>
    %get3A_3 = vector.shape_cast %get3A_2 : vector<1x1024x8xf32> to vector<1024x8xf32>
    %get3A_4 = arith.constant 1 : index
    %get3A_5 = arith.constant 0 : index
    %get3A_6 = arith.constant 0 : index
    %get3A_7 = vector.load %arg1[%get3A_4, %get3A_5, %get3A_6] : memref<3x1024x8xf32, #tpu.memory_space<vmem>>, vector<1x1024x8xf32>
    %get3A_8 = vector.shape_cast %get3A_7 : vector<1x1024x8xf32> to vector<1024x8xf32>
    %get3A_9 = arith.constant 2 : index
    %get3A_10 = arith.constant 0 : index
    %get3A_11 = arith.constant 0 : index
    %get3A_12 = vector.load %arg1[%get3A_9, %get3A_10, %get3A_11] : memref<3x1024x8xf32, #tpu.memory_space<vmem>>, vector<1x1024x8xf32>
    %get3A_13 = vector.shape_cast %get3A_12 : vector<1x1024x8xf32> to vector<1024x8xf32>
    %mul3A = arith.mulf %get3A_3, %get3A_3 : vector<1024x8xf32>
    %mul3A_14 = arith.mulf %get3A_8, %get3A_8 : vector<1024x8xf32>
    %add3A = arith.addf %mul3A, %mul3A_14 : vector<1024x8xf32>
    %mul3A_15 = arith.mulf %get3A_13, %get3A_13 : vector<1024x8xf32>
    %add3A_16 = arith.addf %add3A, %mul3A_15 : vector<1024x8xf32>
    %add3A_17 = arith.constant 9.99999996E-13 : f32
    %add3A_18 = vector.broadcast %add3A_17 : f32 to vector<1024x8xf32>
    %add3A_19 = arith.addf %add3A_16, %add3A_18 : vector<1024x8xf32>
    %sqrt3A = math.sqrt %add3A_19 : vector<1024x8xf32>
    %iota3A = tpu.iota {dimensions = array<i32: 0>} : vector<8x128xi32>
    %iota3A_20 = tpu.iota {dimensions = array<i32: 1>} : vector<8x128xi32>
    %jit3A = arith.constant 16 : i32
    %div3A = vector.broadcast %jit3A : i32 to vector<8x128xi32>
    %div3A_21 = arith.divsi %iota3A_20, %div3A : vector<8x128xi32>
    %sign3A = arith.constant 0 : i32
    %sign3A_22 = vector.broadcast %sign3A : i32 to vector<8x128xi32>
    %sign3A_23 = arith.cmpi sgt, %iota3A_20, %sign3A_22 : vector<8x128xi32>
    %sign3A_24 = arith.extui %sign3A_23 : vector<8x128xi1> to vector<8x128xi32>
    %sign3A_25 = arith.constant 0 : i32
    %sign3A_26 = vector.broadcast %sign3A_25 : i32 to vector<8x128xi32>
    %sign3A_27 = arith.cmpi slt, %iota3A_20, %sign3A_26 : vector<8x128xi32>
    %sign3A_28 = arith.extui %sign3A_27 : vector<8x128xi1> to vector<8x128xi32>
    %sign3A_29 = arith.subi %sign3A_24, %sign3A_28 : vector<8x128xi32>
    %sign3A_30 = arith.constant 0 : i32
    %sign3A_31 = arith.cmpi sgt, %jit3A, %sign3A_30 : i32
    %sign3A_32 = arith.extui %sign3A_31 : i1 to i32
    %sign3A_33 = arith.constant 0 : i32
    %sign3A_34 = arith.cmpi slt, %jit3A, %sign3A_33 : i32
    %sign3A_35 = arith.extui %sign3A_34 : i1 to i32
    %sign3A_36 = arith.subi %sign3A_32, %sign3A_35 : i32
    %ne3A = vector.broadcast %sign3A_36 : i32 to vector<8x128xi32>
    %ne3A_37 = arith.cmpi ne, %sign3A_29, %ne3A : vector<8x128xi32>
    %rem3A = vector.broadcast %jit3A : i32 to vector<8x128xi32>
    %rem3A_38 = arith.remsi %iota3A_20, %rem3A : vector<8x128xi32>
    %ne3A_39 = arith.constant 0 : i32
    %ne3A_40 = vector.broadcast %ne3A_39 : i32 to vector<8x128xi32>
    %ne3A_41 = arith.cmpi ne, %rem3A_38, %ne3A_40 : vector<8x128xi32>
    %and3A = arith.andi %ne3A_37, %ne3A_41 : vector<8x128xi1>
    %sub3A = arith.constant 1 : i32
    %sub3A_42 = vector.broadcast %sub3A : i32 to vector<8x128xi32>
    %sub3A_43 = arith.subi %div3A_21, %sub3A_42 : vector<8x128xi32>
    %select_n3A = arith.select %and3A, %sub3A_43, %div3A_21 : vector<8x128xi1>, vector<8x128xi32>
    %eq3A = arith.cmpi eq, %iota3A, %select_n3A : vector<8x128xi32>
    %convert_element_type3A = arith.extui %eq3A : vector<8x128xi1> to vector<8x128xi32>
    %convert_element_type3A_44 = arith.sitofp %convert_element_type3A : vector<8x128xi32> to vector<8x128xf32>
    %dot_general3A = arith.constant dense<0.000000e+00> : vector<1024x128xf32>
    %dot_general3A_45 = tpu.matmul %sqrt3A, %convert_element_type3A_44, %dot_general3A {dimension_numbers = #tpu.dot_dimension_numbers<[1], [0], [0], [1], [0, 0, 1, 1], [], []>, precision = #tpu.contract_precision<fp32>, transpose_lhs_hint = false} : vector<1024x8xf32>, vector<8x128xf32>, vector<1024x128xf32> -> vector<1024x128xf32>
    %get3A_46 = arith.constant 0 : index
    %get3A_47 = arith.constant 0 : index
    %get3A_48 = vector.load %arg3[%get3A_46, %get3A_47] : memref<1x128xf32, #tpu.memory_space<vmem>>, vector<1x128xf32>
    %sub3A_49 = vector.broadcast %get3A_48 : vector<1x128xf32> to vector<1024x128xf32>
    %sub3A_50 = arith.subf %dot_general3A_45, %sub3A_49 : vector<1024x128xf32>
    %div3A_51 = arith.constant 6.250000e-01 : f32
    %div3A_52 = vector.broadcast %div3A_51 : f32 to vector<1024x128xf32>
    %div3A_53 = arith.divf %sub3A_50, %div3A_52 : vector<1024x128xf32>
    %integer_pow3A = arith.mulf %div3A_53, %div3A_53 : vector<1024x128xf32>
    %neg3A = arith.constant 0.000000e+00 : f32
    %neg3A_54 = vector.broadcast %neg3A : f32 to vector<1024x128xf32>
    %neg3A_55 = arith.subf %neg3A_54, %integer_pow3A : vector<1024x128xf32>
    %exp3A = math.exp %neg3A_55 : vector<1024x128xf32>
    %get3A_56 = arith.constant 0 : index
    %get3A_57 = arith.constant 0 : index
    %get3A_58 = vector.load %arg4[%get3A_56, %get3A_57] : memref<128x96xf32, #tpu.memory_space<vmem>>, vector<128x96xf32>
    %dot_general3A_59 = arith.constant dense<0.000000e+00> : vector<1024x96xf32>
    %dot_general3A_60 = tpu.matmul %exp3A, %get3A_58, %dot_general3A_59 {dimension_numbers = #tpu.dot_dimension_numbers<[1], [0], [0], [1], [0, 0, 1, 1], [], []>, transpose_lhs_hint = false} : vector<1024x128xf32>, vector<128x96xf32>, vector<1024x96xf32> -> vector<1024x96xf32>
    %get3A_61 = arith.constant 0 : index
    %get3A_62 = arith.constant 0 : index
    %get3A_63 = vector.load %arg5[%get3A_61, %get3A_62] : memref<1x96xf32, #tpu.memory_space<vmem>>, vector<1x96xf32>
    %add3A_64 = vector.broadcast %get3A_63 : vector<1x96xf32> to vector<1024x96xf32>
    %add3A_65 = arith.addf %dot_general3A_60, %add3A_64 : vector<1024x96xf32>
    %max3A = arith.constant 0.000000e+00 : f32
    %max3A_66 = vector.broadcast %max3A : f32 to vector<1024x96xf32>
    %max3A_67 = arith.maximumf %add3A_65, %max3A_66 : vector<1024x96xf32>
    %get3A_68 = arith.constant 0 : index
    %get3A_69 = arith.constant 0 : index
    %get3A_70 = vector.load %arg6[%get3A_68, %get3A_69] : memref<96x2048xf32, #tpu.memory_space<vmem>>, vector<96x2048xf32>
    %dot_general3A_71 = arith.constant dense<0.000000e+00> : vector<1024x2048xf32>
    %dot_general3A_72 = tpu.matmul %max3A_67, %get3A_70, %dot_general3A_71 {dimension_numbers = #tpu.dot_dimension_numbers<[1], [0], [0], [1], [0, 0, 1, 1], [], []>, transpose_lhs_hint = false} : vector<1024x96xf32>, vector<96x2048xf32>, vector<1024x2048xf32> -> vector<1024x2048xf32>
    %get3A_73 = arith.constant 0 : index
    %get3A_74 = arith.constant 0 : index
    %get3A_75 = vector.load %arg7[%get3A_73, %get3A_74] : memref<1x2048xf32, #tpu.memory_space<vmem>>, vector<1x2048xf32>
    %add3A_76 = vector.broadcast %get3A_75 : vector<1x2048xf32> to vector<1024x2048xf32>
    %add3A_77 = arith.addf %dot_general3A_72, %add3A_76 : vector<1024x2048xf32>
    %get3A_78 = arith.constant 0 : index
    %get3A_79 = arith.constant 0 : index
    %get3A_80 = vector.load %arg2[%get3A_78, %get3A_79] : memref<1024x128xf32, #tpu.memory_space<vmem>>, vector<1024x128xf32>
    %get3A_81 = arith.constant 0 : index
    %get3A_82 = arith.constant 0 : index
    %get3A_83 = vector.load %arg8[%get3A_81, %get3A_82] : memref<128x128xf32, #tpu.memory_space<vmem>>, vector<128x128xf32>
    %dot_general3A_84 = arith.constant dense<0.000000e+00> : vector<1024x128xf32>
    %dot_general3A_85 = tpu.matmul %get3A_80, %get3A_83, %dot_general3A_84 {dimension_numbers = #tpu.dot_dimension_numbers<[1], [0], [0], [1], [0, 0, 1, 1], [], []>, transpose_lhs_hint = false} : vector<1024x128xf32>, vector<128x128xf32>, vector<1024x128xf32> -> vector<1024x128xf32>
    %concatenate3A = tpu.concatenate %dot_general3A_85, %dot_general3A_85, %dot_general3A_85, %dot_general3A_85, %dot_general3A_85, %dot_general3A_85, %dot_general3A_85, %dot_general3A_85, %dot_general3A_85, %dot_general3A_85, %dot_general3A_85, %dot_general3A_85, %dot_general3A_85, %dot_general3A_85, %dot_general3A_85, %dot_general3A_85 in 1 : vector<1024x128xf32>, vector<1024x128xf32>, vector<1024x128xf32>, vector<1024x128xf32>, vector<1024x128xf32>, vector<1024x128xf32>, vector<1024x128xf32>, vector<1024x128xf32>, vector<1024x128xf32>, vector<1024x128xf32>, vector<1024x128xf32>, vector<1024x128xf32>, vector<1024x128xf32>, vector<1024x128xf32>, vector<1024x128xf32>, vector<1024x128xf32> -> vector<1024x2048xf32>
    %convert_element_type3A_86 = arith.truncf %add3A_77 : vector<1024x2048xf32> to vector<1024x2048xbf16>
    %convert_element_type3A_87 = arith.extf %convert_element_type3A_86 : vector<1024x2048xbf16> to vector<1024x2048xf32>
    %convert_element_type3A_88 = arith.truncf %concatenate3A : vector<1024x2048xf32> to vector<1024x2048xbf16>
    %convert_element_type3A_89 = arith.extf %convert_element_type3A_88 : vector<1024x2048xbf16> to vector<1024x2048xf32>
    %mul3A_90 = arith.mulf %convert_element_type3A_87, %convert_element_type3A_89 : vector<1024x2048xf32>
    %convert_element_type3A_91 = arith.truncf %mul3A_90 : vector<1024x2048xf32> to vector<1024x2048xbf16>
    %convert_element_type3A_92 = arith.extf %convert_element_type3A_91 : vector<1024x2048xbf16> to vector<1024x2048xf32>
    %sub3A_93 = arith.subf %mul3A_90, %convert_element_type3A_92 : vector<1024x2048xf32>
    %get3A_94 = arith.constant 0 : index
    %get3A_95 = arith.constant 0 : index
    %get3A_96 = vector.load %arg9[%get3A_94, %get3A_95] : memref<2048x128xf32, #tpu.memory_space<vmem>>, vector<2048x128xf32>
    %dot_general3A_97 = arith.constant dense<0.000000e+00> : vector<1024x128xf32>
    %dot_general3A_98 = tpu.matmul %convert_element_type3A_92, %get3A_96, %dot_general3A_97 {dimension_numbers = #tpu.dot_dimension_numbers<[1], [0], [0], [1], [0, 0, 1, 1], [], []>, transpose_lhs_hint = false} : vector<1024x2048xf32>, vector<2048x128xf32>, vector<1024x128xf32> -> vector<1024x128xf32>
    %get3A_99 = arith.constant 0 : index
    %get3A_100 = arith.constant 0 : index
    %get3A_101 = vector.load %arg9[%get3A_99, %get3A_100] : memref<2048x128xf32, #tpu.memory_space<vmem>>, vector<2048x128xf32>
    %dot_general3A_102 = arith.constant dense<0.000000e+00> : vector<1024x128xf32>
    %dot_general3A_103 = tpu.matmul %sub3A_93, %get3A_101, %dot_general3A_102 {dimension_numbers = #tpu.dot_dimension_numbers<[1], [0], [0], [1], [0, 0, 1, 1], [], []>, transpose_lhs_hint = false} : vector<1024x2048xf32>, vector<2048x128xf32>, vector<1024x128xf32> -> vector<1024x128xf32>
    %add3A_104 = arith.addf %dot_general3A_98, %dot_general3A_103 : vector<1024x128xf32>
    %mul3A_105 = arith.constant 7.052370e-02 : f32
    %mul3A_106 = vector.broadcast %mul3A_105 : f32 to vector<1024x128xf32>
    %mul3A_107 = arith.mulf %add3A_104, %mul3A_106 : vector<1024x128xf32>
    %swap3A = arith.constant 0 : index
    %swap3A_108 = arith.constant 0 : index
    %swap3A_109 = vector.load %arg10[%swap3A, %swap3A_108] : memref<1024x128xf32, #tpu.memory_space<vmem>>, vector<1024x128xf32>
    tpu.vector_store %arg10[%swap3A, %swap3A_108], %mul3A_107 {strides = array<i32>} : memref<1024x128xf32, #tpu.memory_space<vmem>>, vector<1024x128xf32>,
    return
  }
  func.func @transform_0(%arg0: i32) -> (i32, i32, i32) {
    %c0_i32 = arith.constant 0 : i32
    %c0_i32_0 = arith.constant 0 : i32
    %c0_i32_1 = arith.constant 0 : i32
    return %c0_i32, %arg0, %c0_i32_0 : i32, i32, i32
  }
  func.func @transform_1(%arg0: i32) -> (i32, i32) {
    %c0_i32 = arith.constant 0 : i32
    %c0_i32_0 = arith.constant 0 : i32
    return %arg0, %c0_i32 : i32, i32
  }
  func.func @transform_2(%arg0: i32) -> (i32, i32) {
    %c0_i32 = arith.constant 0 : i32
    %c0_i32_0 = arith.constant 0 : i32
    %c0_i32_1 = arith.constant 0 : i32
    return %c0_i32, %c0_i32_0 : i32, i32
  }
  func.func @transform_3(%arg0: i32) -> (i32, i32) {
    %c0_i32 = arith.constant 0 : i32
    %c0_i32_0 = arith.constant 0 : i32
    %c0_i32_1 = arith.constant 0 : i32
    return %c0_i32, %c0_i32_0 : i32, i32
  }
  func.func @transform_4(%arg0: i32) -> (i32, i32) {
    %c0_i32 = arith.constant 0 : i32
    %c0_i32_0 = arith.constant 0 : i32
    %c0_i32_1 = arith.constant 0 : i32
    return %c0_i32, %c0_i32_0 : i32, i32
  }
  func.func @transform_5(%arg0: i32) -> (i32, i32) {
    %c0_i32 = arith.constant 0 : i32
    %c0_i32_0 = arith.constant 0 : i32
    %c0_i32_1 = arith.constant 0 : i32
    return %c0_i32, %c0_i32_0 : i32, i32
  }
  func.func @transform_6(%arg0: i32) -> (i32, i32) {
    %c0_i32 = arith.constant 0 : i32
    %c0_i32_0 = arith.constant 0 : i32
    %c0_i32_1 = arith.constant 0 : i32
    return %c0_i32, %c0_i32_0 : i32, i32
  }
  func.func @transform_7(%arg0: i32) -> (i32, i32) {
    %c0_i32 = arith.constant 0 : i32
    %c0_i32_0 = arith.constant 0 : i32
    %c0_i32_1 = arith.constant 0 : i32
    return %c0_i32, %c0_i32_0 : i32, i32
  }
  func.func @transform_8(%arg0: i32) -> (i32, i32) {
    %c0_i32 = arith.constant 0 : i32
    %c0_i32_0 = arith.constant 0 : i32
    %c0_i32_1 = arith.constant 0 : i32
    return %c0_i32, %c0_i32_0 : i32, i32
  }
  func.func @transform_9(%arg0: i32) -> (i32, i32) {
    %c0_i32 = arith.constant 0 : i32
    %c0_i32_0 = arith.constant 0 : i32
    return %arg0, %c0_i32 : i32, i32
  }
}

module attributes {stable_mosaic.version = 14 : i64} {
  func.func @_node_body(%arg0: memref<2x10240x16xf32, #tpu.memory_space<vmem>>, %arg1: memref<1x10240xi32, #tpu.memory_space<vmem>>, %arg2: memref<16x16xf32, #tpu.memory_space<vmem>>, %arg3: memref<16x32xf32, #tpu.memory_space<vmem>>, %arg4: memref<1x32xf32, #tpu.memory_space<vmem>>, %arg5: memref<32x1xf32, #tpu.memory_space<vmem>>, %arg6: memref<1x1xf32, #tpu.memory_space<vmem>>, %arg7: memref<64x1xf32, #tpu.memory_space<vmem>>) attributes {dimension_semantics = [], scalar_prefetch = 0 : i64, scratch_operands = 0 : i64, tpu.core_type = #tpu.core_type<tc>} {
    %get3A = arith.constant 0 : index
    %get3A_0 = arith.constant 0 : index
    %get3A_1 = arith.constant 0 : index
    %get3A_2 = vector.load %arg0[%get3A, %get3A_0, %get3A_1] : memref<2x10240x16xf32, #tpu.memory_space<vmem>>, vector<1x10240x16xf32>
    %get3A_3 = vector.shape_cast %get3A_2 : vector<1x10240x16xf32> to vector<10240x16xf32>
    %get3A_4 = arith.constant 1 : index
    %get3A_5 = arith.constant 0 : index
    %get3A_6 = arith.constant 0 : index
    %get3A_7 = vector.load %arg0[%get3A_4, %get3A_5, %get3A_6] : memref<2x10240x16xf32, #tpu.memory_space<vmem>>, vector<1x10240x16xf32>
    %get3A_8 = vector.shape_cast %get3A_7 : vector<1x10240x16xf32> to vector<10240x16xf32>
    %add3A = arith.addf %get3A_3, %get3A_8 : vector<10240x16xf32>
    %mul3A = arith.mulf %add3A, %add3A : vector<10240x16xf32>
    %reduce_sum3A = arith.constant dense<0.000000e+00> : vector<10240xf32>
    %reduce_sum3A_9 = vector.multi_reduction <add>, %mul3A, %reduce_sum3A [1] : vector<10240x16xf32> to vector<10240xf32>
    %broadcast_in_dim3A = vector.shape_cast %reduce_sum3A_9 : vector<10240xf32> to vector<10240x1xf32>
    %div3A = arith.constant 1.600000e+01 : f32
    %div3A_10 = vector.broadcast %div3A : f32 to vector<10240x1xf32>
    %div3A_11 = arith.divf %broadcast_in_dim3A, %div3A_10 : vector<10240x1xf32>
    %add3A_12 = arith.constant 9.99999993E-9 : f32
    %add3A_13 = vector.broadcast %add3A_12 : f32 to vector<10240x1xf32>
    %add3A_14 = arith.addf %div3A_11, %add3A_13 : vector<10240x1xf32>
    %sqrt3A = math.sqrt %add3A_14 : vector<10240x1xf32>
    %div3A_15 = vector.broadcast %sqrt3A : vector<10240x1xf32> to vector<10240x16xf32>
    %div3A_16 = arith.divf %add3A, %div3A_15 : vector<10240x16xf32>
    %get3A_17 = arith.constant 0 : index
    %get3A_18 = arith.constant 0 : index
    %get3A_19 = vector.load %arg2[%get3A_17, %get3A_18] : memref<16x16xf32, #tpu.memory_space<vmem>>, vector<16x16xf32>
    %dot_general3A = arith.constant dense<0.000000e+00> : vector<10240x16xf32>
    %dot_general3A_20 = tpu.matmul %div3A_16, %get3A_19, %dot_general3A {dimension_numbers = #tpu.dot_dimension_numbers<[1], [0], [0], [1], [0, 0, 1, 1], [], []>, transpose_lhs_hint = false} : vector<10240x16xf32>, vector<16x16xf32>, vector<10240x16xf32> -> vector<10240x16xf32>
    %max3A = arith.constant 0.000000e+00 : f32
    %max3A_21 = vector.broadcast %max3A : f32 to vector<10240x16xf32>
    %max3A_22 = arith.maximumf %dot_general3A_20, %max3A_21 : vector<10240x16xf32>
    %abs3A = math.absf %dot_general3A_20 : vector<10240x16xf32>
    %neg3A = arith.constant 0.000000e+00 : f32
    %neg3A_23 = vector.broadcast %neg3A : f32 to vector<10240x16xf32>
    %neg3A_24 = arith.subf %neg3A_23, %abs3A : vector<10240x16xf32>
    %exp3A = math.exp %neg3A_24 : vector<10240x16xf32>
    %add3A_25 = arith.constant 1.000000e+00 : f32
    %add3A_26 = vector.broadcast %add3A_25 : f32 to vector<10240x16xf32>
    %add3A_27 = arith.addf %add3A_26, %exp3A : vector<10240x16xf32>
    %log3A = math.log %add3A_27 : vector<10240x16xf32>
    %add3A_28 = arith.addf %max3A_22, %log3A : vector<10240x16xf32>
    %sub3A = arith.constant 0.693147182 : f32
    %sub3A_29 = vector.broadcast %sub3A : f32 to vector<10240x16xf32>
    %sub3A_30 = arith.subf %add3A_28, %sub3A_29 : vector<10240x16xf32>
    %iota3A = tpu.iota {dimensions = array<i32: 0>} : vector<64x10240xi32>
    %get3A_31 = arith.constant 0 : index
    %get3A_32 = arith.constant 0 : index
    %get3A_33 = vector.load %arg1[%get3A_31, %get3A_32] : memref<1x10240xi32, #tpu.memory_space<vmem>>, vector<1x10240xi32>
    %eq3A = vector.broadcast %get3A_33 : vector<1x10240xi32> to vector<64x10240xi32>
    %eq3A_34 = arith.cmpi eq, %eq3A, %iota3A : vector<64x10240xi32>
    %convert_element_type3A = arith.extui %eq3A_34 : vector<64x10240xi1> to vector<64x10240xi32>
    %convert_element_type3A_35 = arith.sitofp %convert_element_type3A : vector<64x10240xi32> to vector<64x10240xf32>
    %convert_element_type3A_36 = arith.truncf %sub3A_30 : vector<10240x16xf32> to vector<10240x16xbf16>
    %convert_element_type3A_37 = arith.extf %convert_element_type3A_36 : vector<10240x16xbf16> to vector<10240x16xf32>
    %sub3A_38 = arith.subf %sub3A_30, %convert_element_type3A_37 : vector<10240x16xf32>
    %convert_element_type3A_39 = arith.truncf %sub3A_38 : vector<10240x16xf32> to vector<10240x16xbf16>
    %convert_element_type3A_40 = arith.extf %convert_element_type3A_39 : vector<10240x16xbf16> to vector<10240x16xf32>
    %sub3A_41 = arith.subf %sub3A_38, %convert_element_type3A_40 : vector<10240x16xf32>
    %dot_general3A_42 = arith.constant dense<0.000000e+00> : vector<64x16xf32>
    %dot_general3A_43 = tpu.matmul %convert_element_type3A_35, %convert_element_type3A_37, %dot_general3A_42 {dimension_numbers = #tpu.dot_dimension_numbers<[1], [0], [0], [1], [0, 0, 1, 1], [], []>, transpose_lhs_hint = false} : vector<64x10240xf32>, vector<10240x16xf32>, vector<64x16xf32> -> vector<64x16xf32>
    %dot_general3A_44 = arith.constant dense<0.000000e+00> : vector<64x16xf32>
    %dot_general3A_45 = tpu.matmul %convert_element_type3A_35, %convert_element_type3A_40, %dot_general3A_44 {dimension_numbers = #tpu.dot_dimension_numbers<[1], [0], [0], [1], [0, 0, 1, 1], [], []>, transpose_lhs_hint = false} : vector<64x10240xf32>, vector<10240x16xf32>, vector<64x16xf32> -> vector<64x16xf32>
    %add3A_46 = arith.addf %dot_general3A_43, %dot_general3A_45 : vector<64x16xf32>
    %dot_general3A_47 = arith.constant dense<0.000000e+00> : vector<64x16xf32>
    %dot_general3A_48 = tpu.matmul %convert_element_type3A_35, %sub3A_41, %dot_general3A_47 {dimension_numbers = #tpu.dot_dimension_numbers<[1], [0], [0], [1], [0, 0, 1, 1], [], []>, transpose_lhs_hint = false} : vector<64x10240xf32>, vector<10240x16xf32>, vector<64x16xf32> -> vector<64x16xf32>
    %add3A_49 = arith.addf %add3A_46, %dot_general3A_48 : vector<64x16xf32>
    %reduce_sum3A_50 = arith.constant dense<0.000000e+00> : vector<64xf32>
    %reduce_sum3A_51 = vector.multi_reduction <add>, %convert_element_type3A_35, %reduce_sum3A_50 [1] : vector<64x10240xf32> to vector<64xf32>
    %broadcast_in_dim3A_52 = vector.shape_cast %reduce_sum3A_51 : vector<64xf32> to vector<64x1xf32>
    %max3A_53 = arith.constant 1.000000e+00 : f32
    %max3A_54 = vector.broadcast %max3A_53 : f32 to vector<64x1xf32>
    %max3A_55 = arith.maximumf %broadcast_in_dim3A_52, %max3A_54 : vector<64x1xf32>
    %div3A_56 = vector.broadcast %max3A_55 : vector<64x1xf32> to vector<64x16xf32>
    %div3A_57 = arith.divf %add3A_49, %div3A_56 : vector<64x16xf32>
    %get3A_58 = arith.constant 0 : index
    %get3A_59 = arith.constant 0 : index
    %get3A_60 = vector.load %arg3[%get3A_58, %get3A_59] : memref<16x32xf32, #tpu.memory_space<vmem>>, vector<16x32xf32>
    %dot_general3A_61 = arith.constant dense<0.000000e+00> : vector<64x32xf32>
    %dot_general3A_62 = tpu.matmul %div3A_57, %get3A_60, %dot_general3A_61 {dimension_numbers = #tpu.dot_dimension_numbers<[1], [0], [0], [1], [0, 0, 1, 1], [], []>, transpose_lhs_hint = false} : vector<64x16xf32>, vector<16x32xf32>, vector<64x32xf32> -> vector<64x32xf32>
    %get3A_63 = arith.constant 0 : index
    %get3A_64 = arith.constant 0 : index
    %get3A_65 = vector.load %arg4[%get3A_63, %get3A_64] : memref<1x32xf32, #tpu.memory_space<vmem>>, vector<1x32xf32>
    %add3A_66 = vector.broadcast %get3A_65 : vector<1x32xf32> to vector<64x32xf32>
    %add3A_67 = arith.addf %dot_general3A_62, %add3A_66 : vector<64x32xf32>
    %gt3A = arith.constant 0.000000e+00 : f32
    %gt3A_68 = vector.broadcast %gt3A : f32 to vector<64x32xf32>
    %gt3A_69 = arith.cmpf ogt, %add3A_67, %gt3A_68 : vector<64x32xf32>
    %exp3A_70 = math.exp %add3A_67 : vector<64x32xf32>
    %sub3A_71 = arith.constant 1.000000e+00 : f32
    %sub3A_72 = vector.broadcast %sub3A_71 : f32 to vector<64x32xf32>
    %sub3A_73 = arith.subf %exp3A_70, %sub3A_72 : vector<64x32xf32>
    %select_n3A = arith.select %gt3A_69, %add3A_67, %sub3A_73 : vector<64x32xi1>, vector<64x32xf32>
    %get3A_74 = arith.constant 0 : index
    %get3A_75 = arith.constant 0 : index
    %get3A_76 = vector.load %arg5[%get3A_74, %get3A_75] : memref<32x1xf32, #tpu.memory_space<vmem>>, vector<32x1xf32>
    %dot_general3A_77 = arith.constant dense<0.000000e+00> : vector<64x1xf32>
    %dot_general3A_78 = tpu.matmul %select_n3A, %get3A_76, %dot_general3A_77 {dimension_numbers = #tpu.dot_dimension_numbers<[1], [0], [0], [1], [0, 0, 1, 1], [], []>, transpose_lhs_hint = false} : vector<64x32xf32>, vector<32x1xf32>, vector<64x1xf32> -> vector<64x1xf32>
    %get3A_79 = arith.constant 0 : index
    %get3A_80 = arith.constant 0 : index
    %get3A_81 = vector.load %arg6[%get3A_79, %get3A_80] : memref<1x1xf32, #tpu.memory_space<vmem>>, vector<1x1xf32>
    %add3A_82 = vector.broadcast %get3A_81 : vector<1x1xf32> to vector<64x1xf32>
    %add3A_83 = arith.addf %dot_general3A_78, %add3A_82 : vector<64x1xf32>
    %swap3A = arith.constant 0 : index
    %swap3A_84 = arith.constant 0 : index
    %swap3A_85 = vector.load %arg7[%swap3A, %swap3A_84] : memref<64x1xf32, #tpu.memory_space<vmem>>, vector<64x1xf32>
    tpu.vector_store %arg7[%swap3A, %swap3A_84], %add3A_83 {strides = array<i32>} : memref<64x1xf32, #tpu.memory_space<vmem>>, vector<64x1xf32>,
    return
  }
}

</mosaic_0001>

<sc_bundles>
// kernel: kernel.6.cloned.1.call-start
scs
__scs_entry_jumppad:
0x0: {  	(pc) =	sbr.rel $0x88, $3  }
0x1: {  	(tag) =	ssettag $0x0;
	lr =	simm.s32 $0x1  }
0x2: {  	[smem:$0x3F93] =	sst lr;
	_ =	strace $0xD0000000  }
0x3: {  	_ = 	snop  }
0x4: {  	_ = 	snop  }
0x5: {  	_ = 	snop  }
0x6: {  	_ = 	snop  }
0x7: {  	_ = 	snop  }
__scs_overlays_trampoline_lowered:
0x8: {  	[smem:$0x3FA2] =	sst s0  }
0x9: {  	[smem:$0x3FA3] =	sst s1  }
0xa: {  	[smem:$0x3FA4] =	sst s2  }
0xb: {  	[smem:$0x3FA5] =	sst s3  }
0xc: {  	[smem:$0x3FA6] =	sst s4  }
0xd: {  	[smem:$0x3FA7] =	sst s5  }
0xe: {  	[smem:$0x3FA8] =	sst s6  }
0xf: {  	[smem:$0x3FA9] =	sst s7  }
0x10: {  	[smem:$0x3FAA] =	sst s8  }
0x11: {  	[smem:$0x3FAB] =	sst s9;
	s0 =	simm.s32 @!p0 $0x0  }
0x12: {  	s1 =	sld [smem:$0x3F91];
	s0 =	simm.s32 @p0 $0x1  }
0x13: {  	[smem:$0x3FAC] =	sst s0;
	s0 =	simm.s32 @!p1 $0x0  }
0x14: {  	s2 =	sld [smem:$0x3F90];
	s0 =	simm.s32 @p1 $0x1  }
0x15: {  	[smem:$0x3FAD] =	sst s0;
	s0 =	simm.s32 @!p2 $0x0  }
0x16: {  	s3 =	sld [smem:$0x3FDB];
	s0 =	simm.s32 @p2 $0x1  }
0x17: {  	s4 =	simm.s32 $0x1BF5;
	[smem:$0x3FAF] =	sst s0  }
0x18: {  	s0 =	sld [smem:$0x3F92];
	_ =	swait.ge [sflag:s4], $0x0  }
0x19: {  	s7 =	sld [smem:$0x3F93]  }
0x1a: {  	s8 =	sadd.s32 $0xFFFFE003, lr  }
0x1b: {  	s9 =	sadd.s32 $0xFFFFFEF7, lr;
	s5 =	simm.s32 $0xFFFFFFFF;
	p2 =	slt.u32 s8, $0xFFFFF086  }
0x1c: {  	p1 =	slt.u32 s9, $0xF7A;
	s5 =	simm.s32 @!p2 $0x0  }
0x1d: {  	s5 =	simm.s32 @p1 $0x1;
	p0 =	seq.s32 s7, s2  }
0x1e: {  	s7 =	smul.u32 @!p0 $0xF7A, s2;
	p2 =	seq.s32 @!p0 s5, $0x0  }
0x1f: {  	s9 =	smul.u32 $0xF7A, s1;
	s8 =	simm.s32 @!p0 $0x1BF5;
	p2 =	por !p2, p0  }
0x20: {  	[sflag:s8] =	ssyncset.s32 @!p0 $0xFFFFF086;
	s6 =	sadd.s32 @!p0 s3, s7;
	s7 =	simm.s32 @!p0 $0x108  }
0x21: {  	s3 =	sadd.s32 s3, s9;
	s6 =	sadd.s32 @!p0 $0x88, s6;
	s7 =	simm.s32 @p2 $0x1082  }
0x22: {  	[simem:s7], [sflag:s8] =	dma.local @!p0 [hbm:s6], $0xF7A  }
0x23: {  	s9 =	sor.u32 $0xD0000000, s2;
	s6 =	simm.s32 $0x108;
	_ =	swait.ge @!p0 [sflag:s8], $0x0  }
0x24: {  	s3 =	sadd.s32 $0x88, s3;
	s6 =	simm.s32 @!p1 $0x1082;
	[sflag:s4] =	ssyncset.s32 $0xFFFFF086  }
0x25: {  	[simem:s6], [sflag:s4] =	dma.local [hbm:s3], $0xF7A  }
0x26: {  	[smem:$0x3F93] =	sst s1;
	(tag) =	ssettag s2;
	_ =	strace s9  }
0x27: {  	s1 =	sld [smem:$0x3FA3]  }
0x28: {  	s2 =	sld [smem:$0x3FA4]  }
0x29: {  	s4 =	sld [smem:$0x3FA6]  }
0x2a: {  	p0 =	seq.s32 s5, $0x0;
	s5 =	sld [smem:$0x3FA7]  }
0x2b: {  	s6 =	sld [smem:$0x3FA8]  }
0x2c: {  	s7 =	sld [smem:$0x3FA9]  }
0x2d: {  	s3 =	simm.s32 $0x108;
	s8 =	sld [smem:$0x3FAA]  }
0x2e: {  	s3 =	simm.s32 @!p0 $0x1082;
	s9 =	sld [smem:$0x3FAB]  }
0x2f: {  	lr =	sadd.s32 s0, s3;
	s0 =	sld [smem:$0x3FA2]  }
0x30: {  	s3 =	sld [smem:$0x3FA5]  }
0x31: {  	[smem:$0x3FAE] =	sst s10  }
0x32: {  	s10 =	sld [smem:$0x3FAC];
	_ =	sdelay $0x3  }
0x33: {  	p0 =	seq.s32 s10, $0x1;
	s10 =	sld [smem:$0x3FAE];
	_ =	sdelay $0x3  }
0x34: {  	[smem:$0x3FAE] =	sst s10  }
0x35: {  	s10 =	sld [smem:$0x3FAD];
	_ =	sdelay $0x3  }
0x36: {  	p1 =	seq.s32 s10, $0x1;
	s10 =	sld [smem:$0x3FAE];
	_ =	sdelay $0x3  }
0x37: {  	[smem:$0x3FAE] =	sst s10  }
0x38: {  	s10 =	sld [smem:$0x3FAF]  }
0x39: {  	_ = 	snop;
	(pc) =	sbr.ind lr, $3  }
0x3a: {  	_ = 	snop  }
0x3b: {  	_ = 	snop  }
0x3c: {  	p2 =	seq.s32 s10, $0x1;
	s10 =	sld [smem:$0x3FAE]  }
0x3d: {  	_ =	shalt  }
0x3e: {  	_ =	shalt  }
0x3f: {  	_ =	shalt  }
0x40: {  	_ =	shalt  }
0x41: {  	_ =	shalt  }
0x42: {  	_ =	shalt  }
0x43: {  	_ =	shalt  }
0x44: {  	_ =	shalt  }
0x45: {  	_ =	shalt  }
0x46: {  	_ =	shalt  }
0x47: {  	_ =	shalt  }
0x48: {  	_ =	shalt  }
0x49: {  	_ =	shalt  }
0x4a: {  	_ =	shalt  }
0x4b: {  	_ =	shalt  }
0x4c: {  	_ =	shalt  }
0x4d: {  	_ =	shalt  }
0x4e: {  	_ =	shalt  }
0x4f: {  	_ =	shalt  }
0x50: {  	_ =	shalt  }
0x51: {  	_ =	shalt  }
0x52: {  	_ =	shalt  }
0x53: {  	_ =	shalt  }
0x54: {  	_ =	shalt  }
0x55: {  	_ =	shalt  }
0x56: {  	_ =	shalt  }
0x57: {  	_ =	shalt  }
0x58: {  	_ =	shalt  }
0x59: {  	_ =	shalt  }
0x5a: {  	_ =	shalt  }
0x5b: {  	_ =	shalt  }
0x5c: {  	_ =	shalt  }
0x5d: {  	_ =	shalt  }
0x5e: {  	_ =	shalt  }
0x5f: {  	_ =	shalt  }
0x60: {  	_ =	shalt  }
0x61: {  	_ =	shalt  }
0x62: {  	_ =	shalt  }
0x63: {  	_ =	shalt  }
0x64: {  	_ =	shalt  }
0x65: {  	_ =	shalt  }
0x66: {  	_ =	shalt  }
0x67: {  	_ =	shalt  }
0x68: {  	_ =	shalt  }
0x69: {  	_ =	shalt  }
0x6a: {  	_ =	shalt  }
0x6b: {  	_ =	shalt  }
0x6c: {  	_ =	shalt  }
0x6d: {  	_ =	shalt  }
0x6e: {  	_ =	shalt  }
0x6f: {  	_ =	shalt  }
0x70: {  	_ =	shalt  }
0x71: {  	_ =	shalt  }
0x72: {  	_ =	shalt  }
0x73: {  	_ =	shalt  }
0x74: {  	_ =	shalt  }
0x75: {  	_ =	shalt  }
0x76: {  	_ =	shalt  }
0x77: {  	_ =	shalt  }
0x78: {  	_ =	shalt  }
0x79: {  	_ =	shalt  }
0x7a: {  	_ =	shalt  }
0x7b: {  	_ =	shalt  }
0x7c: {  	_ =	shalt  }
0x7d: {  	_ =	shalt  }
0x7e: {  	_ =	shalt  }
0x7f: {  	_ =	shalt  }
0x80: {  	_ =	shalt  }
0x81: {  	_ =	shalt  }
0x82: {  	_ =	shalt  }
0x83: {  	_ =	shalt  }
0x84: {  	_ =	shalt  }
0x85: {  	_ =	shalt  }
0x86: {  	_ =	shalt  }
0x87: {  	_ =	shalt  }
.Lfunc_end0:
.L_simem_size_0:
called_computation_lowered:
.L_overlay_start_0:
0x88: {  	s2 =	sld [smem:$0x3FD9]  }
0x89: {  	s3 =	sld [smem:$0x3FFE];
	_ =	sdelay $0x1  }
0x8a: {  	s1 =	srdreg.scid  }
0x8b: {  	s0 =	sand.u32 $0x1, s1  }
0x8c: {  	s16 =	sshll.u32 s0, $0xA;
	s2 =	sadd.s32 s3, s2  }
0x8d: {  	s2 =	sadd.s32 s2, s16  }
0x8e: {  	[smem:$0x3FBA] =	sst s2  }
0x8f: {  	_ = 	snop  }
0x90: {  	(tm) =	ssettm $0x1  }
0x91: {  	s17 =	sld [smem:$0x3FFB];
	_ =	sdelay $0x3  }
0x92: {  	_ =	strace s17  }
0x93: {  	s2 =	sld [smem:$0x3FFC];
	_ =	sdelay $0x3  }
0x94: {  	_ =	strace s2  }
0x95: {  	s2 =	sld [smem:$0x3FFD];
	_ =	sdelay $0x3  }
0x96: {  	_ =	strace s2  }
0x97: {  	_ =	strace $0x8FFFFFFF  }
0x98: {  	s18 =	sld [smem:$0x3FDB];
	_ =	sdelay $0x1  }
0x99: {  	s19 =	simm.s32 $_scs_section_size  }
0x9a: {  	s4 =	simm.s32 $_size__tile_overlayer_lowered;
	s5 =	simm.s32 $_tile_overlayer_lowered  }
0x9b: {  	s22 =	simm.s32 $0x1BFF;
	s21 =	sshll.u32 s5, $0x1;
	s2 =	sadd.s32 s19, s18  }
0x9c: {  	s6 =	simm.s32 $0x0;
	s20 =	sshll.u32 s4, $0x1;
	s4 =	sadd.s32 s21, s2  }
0x9d: {  	[timem:s6], [sflag:s22] =	dma.local [hbm:s4], s20  }
0x9e: {  	_ =	swait.ge [sflag:s22], s20  }
0x9f: {  	s3 =	ssub.s32 $0x0, s20;
	[sflag:s22] =	ssyncset.done $0x0  }
0xa0: {  	[sflag:s22] =	ssyncadd.s32 s3;
	_ =	sdelay $0x1  }
0xa1: {  	s23 =	simm.s32 $0x1B8B  }
0xa2: {  	_ =	swait.ge [sflag:s23], $0x1  }
0xa3: {  	[sflag:s23] =	ssyncset.done $0x0  }
0xa4: {  	s25 =	simm.s32 $0x1B8E;
	s24 =	sld [smem:$0x3FFE];
	[sflag:s23] =	ssyncadd.s32 $0xFFFFFFFF  }
0xa5: {  	s26 =	simm.s32 $execute0_lowered;
	[smem:$0x3FD2] =	sst s25  }
0xa6: {  	s4 =	sshll.u32 s26, $0x1;
	_ =	strace $0x80000046;
	[dreg:$0x1] =	wrdreg $0xFFFFFFFF  }
0xa7: {  	s28 =	simm.s32 $_size_execute0_lowered;
	s2 =	sadd.s32 s2, s4;
	[dreg:$0x0] =	wrdreg $0x0  }
0xa8: {  	s4 =	sshll.u32 s28, $0x1;
	[dreg:$0x2] =	wrdreg s2  }
0xa9: {  	[dreg:$0x3] =	wrdreg s4  }
0xaa: {  	[dreg:$0x4] =	wrdreg $0xC0  }
0xab: {  	_ =	task [dreg:s6], $0x5FFFF  }
0xac: {  	[dreg:$0x1] =	wrdreg $0xFFFFFFFF  }
0xad: {  	[dreg:$0x0] =	wrdreg $0x60  }
0xae: {  	[dreg:$0x2] =	wrdreg s24  }
0xaf: {  	[dreg:$0x3] =	wrdreg $0x9  }
0xb0: {  	_ =	task.clear_ibuf [dreg:s6], $0x4FFFF;
	_ =	strace $0x90000046  }
0xb1: {  	s29 =	simm.s32 $0x9;
	_ =	strace $0x80000048  }
0xb2: {  	_ =	swait.ge [sflag:s29], $0x1  }
0xb3: {  	[sflag:s29] =	ssyncadd.s32 $0xFFFFFFFF  }
0xb4: {  	_ =	strace $0x90000048  }
0xb5: {  	_ =	sfence  }
0xb6: {  	s30 =	sld [smem:$0x0];
	_ =	sdelay $0x2  }
0xb7: {  	s31 =	sshll.u32 s1, $0xD;
	s1 =	sshrl.u32 s1, $0x2  }
0xb8: {  	s3 =	sand.u32 $0x4000, s31;
	s1 =	sadd.s32 s1, s30  }
0xb9: {  	s0 =	sor.u32 s3, s0;
	s1 =	sshll.u32 s1, $0x11  }
0xba: {  	s0 =	sor.u32 s1, s0  }
0xbb: {  	s0 =	sadd.s32 $0x8F2B, s0  }
0xbc: {  	[sflag:s0] =	ssyncadd.remote.s32 $0x1  }
0xbd: {  	_ =	sfence.sel $0xFFFF  }
0xbe: {  	[dreg:$0x0] =	wrdreg $0xFFFFFFFF;
	(pc) =	sbr.abs _section_cstart, $3  }
0xbf: {  	[dreg:$0x1] =	wrdreg $0xFFFFFFFF  }
0xc0: {  	_ =	task.clear_ibuf [dreg:s6], $0x2FFFF;
	_ =	strace $0x9FFFFFFF  }
0xc1: {  	(tm) =	ssettm $0x7FFFFFFF  }
tec
execute0_lowered:
.L_overlay_start_1:
0x0: {  	(tag) =	ssettag $0x1  }
0x1: {  	s0 =	srdreg.scid  }
0x2: {  	s10 =	stileid.u32;
	s1 =	rddreg [dreg:$0x0]  }
0x3: {  	s2 =	simm.s32 $0x0;
	s14 =	simm.s32 $0x9;
	s15 =	simm.s32 $0x80  }
0x4: {  	s16 =	simm.s32 $0x1400;
	s17 =	simm.s32 $0x1C00;
	s19 =	simm.s32 $0x2400  }
0x5: {  	s21 =	simm.s32 $0x2C00;
	s22 =	simm.s32 $0x1;
	s23 =	simm.s32 $0x2  }
0x6: {  	s24 =	simm.s32 $0x3;
	s28 =	simm.s32 $0x6;
	s9 =	smul.u32 $0x28000, s10  }
0x7: {  	s0 =	sand.u32 $0x1, s0;
	s3 =	sshll.u32 s10, $0x1;
	s10 =	smul.u32 $0x2800, s10  }
0x8: {  	s29 =	simm.s32 $0x7;
	s30 =	simm.s32 $0x8;
	s11 =	smul.u32 $0x1400, s0  }
0x9: {  	s4 =	sor.u32 s0, s3;
	s7 =	ssub.s32 $0x2, s0;
	s0 =	smul.u32 $0x14000, s0  }
0xa: {  	s31 =	simm.s32 $0x0;
	[smem:$0x7FF] =	sst s2;
	s5 =	smul.u32 $0x1400, s4  }
0xb: {  	_ =	strace $0x80000047;
	s6 =	smul.u32 $0x14000, s4;
	s25 =	sshrl.u32 s7, $0x1  }
0xc: {  	s3 =	sadd.s32 $0x1400, s1;
	s8 =	smul.u32 $0x2800, s4;
	s7 =	ssub.s32 s7, s25  }
0xd: {  	s10 =	sadd.s32 s11, s10;
	s0 =	sadd.s32 s0, s9;
	s25 =	simm.s32 $0x4  }
0xe: {  	s5 =	sshrl.u32 s5, $0x3;
	s6 =	sshrl.u32 s6, $0x3;
	s10 =	sshll.u32 s10, $0x1  }
0xf: {  	s0 =	sshrl.u32 s0, $0x3;
	s5 =	sadd.s32 s5, s1;
	s1 =	sadd.s32 $0xB400, s1  }
0x10: {  	s26 =	sadd.s32 $0x6400, s5;
	s5 =	smax.u32 s7, $0x1;
	s6 =	sadd.s32 s1, s6  }
0x11: {  	s12 =	sadd.s32 s1, s8;
	s13 =	sadd.s32 s10, s1;
	s10 =	sadd.s32 s0, s1  }
0x12: {  	[dreg:$0x2] =	wrdreg s26;
	s6 =	sadd.s32 $0x2400, s6;
	s7 =	sadd.s32 $0x2500, s12  }
0x13: {  	s8 =	sadd.s32 $0x2600, s12;
	s9 =	sadd.s32 $0x2700, s12;
	s11 =	sadd.s32 $0x300, s13  }
0x14: {  	s12 =	sadd.s32 $0x200, s13;
	s13 =	sadd.s32 $0x100, s13;
	s26 =	simm.s32 $0x5  }
.LBB2_1:
0x15: {  	s0 =	rddreg [dreg:$0x2]  }
0x16: {  	[tilespmem:s2], [sflag:$0x9] =	stream.linear.gather [hbm4b:s0+s2], $0x1400, $0x38;
	[tilespmem:$0x3400] =	vst v63  }
0x17: {  	_ =	swait.ge [sflag:s14], $0x1400  }
0x18: {  	[sflag:s14] =	ssyncset.done $0x0  }
0x19: {  	[sflag:s14] =	ssyncadd.s32 $0xFFFFEC00  }
0x1a: {  	[tilespmem:s16], [sflag:$0x1] =	stream.indirect.gather [hbm4b:s3+s15], $0x10, s2, s15, $0xb8;
	[tilespmem:$0x3400] =	vst v63  }
0x1b: {  	_ = 	snop  }
0x1c: {  	[tilespmem:s17], [sflag:$0x2] =	stream.indirect.gather [hbm4b:s3+s15], $0x10, s15, s15, $0xb8;
	[tilespmem:$0x3400] =	vst v63  }
0x1d: {  	s20 =	simm.s32 $0x100  }
0x1e: {  	[tilespmem:s19], [sflag:$0x3] =	stream.indirect.gather [hbm4b:s3+s15], $0x10, s20, s15, $0xb8;
	[tilespmem:$0x3400] =	vst v63  }
0x1f: {  	s1 =	simm.s32 $0x180  }
0x20: {  	[tilespmem:s21], [sflag:$0x4] =	stream.indirect.gather [hbm4b:s3+s15], $0x10, s1, s15, $0xb8;
	[tilespmem:$0x3400] =	vst v63  }
0x21: {  	_ =	swait.ge [sflag:s22], $0x800  }
0x22: {  	[sflag:s22] =	ssyncset.done $0x0  }
0x23: {  	s4 =	sadd.s32 $0x0, s10;
	[sflag:s22] =	ssyncadd.s32 $0xFFFFF800  }
0x24: {  	[hbm4b:s4+s2] =	stream.linear.scatter [tilespmem:s16], [sflag:$0x5], $0x800, $0x38;
	[tilespmem:$0x3400] =	vst v63  }
0x25: {  	_ =	swait.ge [sflag:s23], $0x800  }
0x26: {  	[sflag:s23] =	ssyncset.done $0x0  }
0x27: {  	s18 =	sadd.s32 $0x0, s13;
	[sflag:s23] =	ssyncadd.s32 $0xFFFFF800  }
0x28: {  	[hbm4b:s18+s2] =	stream.linear.scatter [tilespmem:s17], [sflag:$0x6], $0x800, $0x38;
	[tilespmem:$0x3400] =	vst v63  }
0x29: {  	_ =	swait.ge [sflag:s24], $0x800  }
0x2a: {  	[sflag:s24] =	ssyncset.done $0x0  }
0x2b: {  	s20 =	sadd.s32 $0x0, s12;
	[sflag:s24] =	ssyncadd.s32 $0xFFFFF800  }
0x2c: {  	[hbm4b:s20+s2] =	stream.linear.scatter [tilespmem:s19], [sflag:$0x7], $0x800, $0x38;
	[tilespmem:$0x3400] =	vst v63  }
0x2d: {  	_ =	swait.ge [sflag:s25], $0x800  }
0x2e: {  	[sflag:s25] =	ssyncset.done $0x0  }
0x2f: {  	s1 =	sadd.s32 $0x0, s11;
	[sflag:s25] =	ssyncadd.s32 $0xFFFFF800  }
0x30: {  	[hbm4b:s1+s2] =	stream.linear.scatter [tilespmem:s21], [sflag:$0x8], $0x800, $0x38;
	[tilespmem:$0x3400] =	vst v63  }
0x31: {  	_ =	swait.ge [sflag:s26], $0x800  }
0x32: {  	[sflag:s26] =	ssyncset.done $0x0  }
0x33: {  	s4 =	simm.s32 $0x200;
	[sflag:s26] =	ssyncadd.s32 $0xFFFFF800  }
0x34: {  	[tilespmem:s16], [sflag:$0x1] =	stream.indirect.gather [hbm4b:s3+s15], $0x10, s4, s15, $0xb8;
	[tilespmem:$0x3400] =	vst v63  }
0x35: {  	_ =	swait.ge [sflag:s28], $0x800  }
0x36: {  	[sflag:s28] =	ssyncset.done $0x0  }
0x37: {  	s18 =	simm.s32 $0x280;
	[sflag:s28] =	ssyncadd.s32 $0xFFFFF800  }
0x38: {  	[tilespmem:s17], [sflag:$0x2] =	stream.indirect.gather [hbm4b:s3+s15], $0x10, s18, s15, $0xb8;
	[tilespmem:$0x3400] =	vst v63  }
0x39: {  	_ =	swait.ge [sflag:s29], $0x800  }
0x3a: {  	[sflag:s29] =	ssyncset.done $0x0  }
0x3b: {  	s20 =	simm.s32 $0x300;
	[sflag:s29] =	ssyncadd.s32 $0xFFFFF800  }
0x3c: {  	[tilespmem:s19], [sflag:$0x3] =	stream.indirect.gather [hbm4b:s3+s15], $0x10, s20, s15, $0xb8;
	[tilespmem:$0x3400] =	vst v63  }
0x3d: {  	_ =	swait.ge [sflag:s30], $0x800  }
0x3e: {  	s0 =	simm.s32 $0x400;
	[sflag:s30] =	ssyncset.done $0x0  }
0x3f: {  	s1 =	simm.s32 $0x380;
	s18 =	simm.s32 $0x580;
	[sflag:s30] =	ssyncadd.s32 $0xFFFFF800  }
.LBB2_2:
0x40: {  	[tilespmem:s21], [sflag:$0x4] =	stream.indirect.gather [hbm4b:s3+s15], $0x10, s1, s15, $0xb8;
	[tilespmem:$0x3400] =	vst v63  }
0x41: {  	s20 =	smov.u32 s0;
	s1 =	smov.u32 s18  }
0x42: {  	p0 =	sne.s32 s0, $0x2000;
	s0 =	sadd.s32 $0x400, s0;
	_ =	swait.ge [sflag:s22], $0x800  }
0x43: {  	[sflag:s22] =	ssyncset.done $0x0  }
0x44: {  	s4 =	sadd.s32 s20, s10;
	[sflag:s22] =	ssyncadd.s32 $0xFFFFF800  }
0x45: {  	[hbm4b:s4+s2] =	stream.linear.scatter [tilespmem:s16], [sflag:$0x5], $0x800, $0x38;
	[tilespmem:$0x3400] =	vst v63  }
0x46: {  	_ =	swait.ge [sflag:s23], $0x800  }
0x47: {  	[sflag:s23] =	ssyncset.done $0x0  }
0x48: {  	s4 =	sadd.s32 s20, s13;
	[sflag:s23] =	ssyncadd.s32 $0xFFFFF800  }
0x49: {  	[hbm4b:s4+s2] =	stream.linear.scatter [tilespmem:s17], [sflag:$0x6], $0x800, $0x38;
	[tilespmem:$0x3400] =	vst v63  }
0x4a: {  	_ =	swait.ge [sflag:s24], $0x800  }
0x4b: {  	[sflag:s24] =	ssyncset.done $0x0  }
0x4c: {  	s4 =	sadd.s32 s20, s12;
	[sflag:s24] =	ssyncadd.s32 $0xFFFFF800  }
0x4d: {  	[hbm4b:s4+s2] =	stream.linear.scatter [tilespmem:s19], [sflag:$0x7], $0x800, $0x38;
	[tilespmem:$0x3400] =	vst v63  }
0x4e: {  	_ =	swait.ge [sflag:s25], $0x800  }
0x4f: {  	[sflag:s25] =	ssyncset.done $0x0  }
0x50: {  	s4 =	sadd.s32 s20, s11;
	[sflag:s25] =	ssyncadd.s32 $0xFFFFF800  }
0x51: {  	[hbm4b:s4+s2] =	stream.linear.scatter [tilespmem:s21], [sflag:$0x8], $0x800, $0x38;
	[tilespmem:$0x3400] =	vst v63  }
0x52: {  	_ =	swait.ge [sflag:s26], $0x800  }
0x53: {  	[sflag:s26] =	ssyncset.done $0x0  }
0x54: {  	s4 =	sadd.s32 $0xFFFFFE80, s18;
	[sflag:s26] =	ssyncadd.s32 $0xFFFFF800  }
0x55: {  	[tilespmem:s16], [sflag:$0x1] =	stream.indirect.gather [hbm4b:s3+s15], $0x10, s4, s15, $0xb8;
	[tilespmem:$0x3400] =	vst v63  }
0x56: {  	_ =	swait.ge [sflag:s28], $0x800  }
0x57: {  	[sflag:s28] =	ssyncset.done $0x0  }
0x58: {  	s4 =	sadd.s32 $0xFFFFFF00, s18;
	[sflag:s28] =	ssyncadd.s32 $0xFFFFF800  }
0x59: {  	[tilespmem:s17], [sflag:$0x2] =	stream.indirect.gather [hbm4b:s3+s15], $0x10, s4, s15, $0xb8;
	[tilespmem:$0x3400] =	vst v63  }
0x5a: {  	_ =	swait.ge [sflag:s29], $0x800  }
0x5b: {  	[sflag:s29] =	ssyncset.done $0x0  }
.Ltmp0:
0x5c: {  	s4 =	sadd.s32 $0xFFFFFF80, s18;
	[sflag:s29] =	ssyncadd.s32 $0xFFFFF800;
	(pc) =	sbr.rel @p0 .LBB2_2-.Ltmp0, $4  }
0x5d: {  	[tilespmem:s19], [sflag:$0x3] =	stream.indirect.gather [hbm4b:s3+s15], $0x10, s4, s15, $0xb8;
	[tilespmem:$0x3400] =	vst v63  }
0x5e: {  	_ =	swait.ge [sflag:s30], $0x800  }
0x5f: {  	[sflag:s30] =	ssyncset.done $0x0  }
0x60: {  	s18 =	sadd.s32 $0x200, s18;
	[sflag:s30] =	ssyncadd.s32 $0xFFFFF800  }
0x61: {  	[tilespmem:s21], [sflag:$0x4] =	stream.indirect.gather [hbm4b:s3+s15], $0x10, s1, s15, $0xb8;
	[tilespmem:$0x3400] =	vst v63  }
0x62: {  	_ =	swait.ge [sflag:s22], $0x800  }
0x63: {  	[sflag:s22] =	ssyncset.done $0x0  }
0x64: {  	[sflag:s22] =	ssyncadd.s32 $0xFFFFF800  }
0x65: {  	[hbm4b:s6+s2] =	stream.linear.scatter [tilespmem:s16], [sflag:$0x5], $0x800, $0x38;
	[tilespmem:$0x3400] =	vst v63  }
0x66: {  	_ =	swait.ge [sflag:s23], $0x800  }
0x67: {  	[sflag:s23] =	ssyncset.done $0x0  }
0x68: {  	[sflag:s23] =	ssyncadd.s32 $0xFFFFF800  }
0x69: {  	[hbm4b:s7+s2] =	stream.linear.scatter [tilespmem:s17], [sflag:$0x6], $0x800, $0x38;
	[tilespmem:$0x3400] =	vst v63  }
0x6a: {  	_ =	swait.ge [sflag:s24], $0x800  }
0x6b: {  	[sflag:s24] =	ssyncset.done $0x0  }
0x6c: {  	[sflag:s24] =	ssyncadd.s32 $0xFFFFF800  }
0x6d: {  	[hbm4b:s8+s2] =	stream.linear.scatter [tilespmem:s19], [sflag:$0x7], $0x800, $0x38;
	[tilespmem:$0x3400] =	vst v63  }
0x6e: {  	_ =	swait.ge [sflag:s25], $0x800  }
0x6f: {  	[sflag:s25] =	ssyncset.done $0x0  }
0x70: {  	[sflag:s25] =	ssyncadd.s32 $0xFFFFF800  }
0x71: {  	[hbm4b:s9+s2] =	stream.linear.scatter [tilespmem:s21], [sflag:$0x8], $0x800, $0x38;
	[tilespmem:$0x3400] =	vst v63  }
0x72: {  	_ =	swait.ge [sflag:s26], $0x800  }
0x73: {  	[sflag:s26] =	ssyncset.done $0x0  }
0x74: {  	[sflag:s26] =	ssyncadd.s32 $0xFFFFF800  }
0x75: {  	_ =	swait.ge [sflag:s28], $0x800  }
0x76: {  	[sflag:s28] =	ssyncset.done $0x0  }
0x77: {  	s31 =	sadd.s32 $0x1, s31;
	[sflag:s28] =	ssyncadd.s32 $0xFFFFF800  }
0x78: {  	p0 =	sne.s32 s31, s5;
	_ =	swait.ge [sflag:s29], $0x800  }
.Ltmp1:
0x79: {  	[sflag:s29] =	ssyncset.done $0x0;
	(pc) =	sbr.rel @p0 .LBB2_1-.Ltmp1, $4  }
0x7a: {  	[sflag:s29] =	ssyncadd.s32 $0xFFFFF800  }
0x7b: {  	_ =	swait.ge [sflag:s30], $0x800  }
0x7c: {  	[sflag:s30] =	ssyncset.done $0x0  }
0x7d: {  	[sflag:s30] =	ssyncadd.s32 $0xFFFFF800  }
0x7e: {  	_ =	sfence.sel $0x180000  }
0x7f: {  	[bflag:$0x0] =	sbarrier.arrive $0xFFFF  }
0x80: {  	_ =	strace $0x90000047  }
0x81: {  	s0 =	stileid.u32;
	[bflag:$0x2] =	sbarrier.arrive $0xFFFF  }
0x82: {  	p0 =	sne.s32 s0, $0x0;
	s0 =	rddreg [dreg:$0x1]  }
0x83: {  	s0 =	sadd.s32 @!p0 $0x100000, s0  }
0x84: {  	[sflag:s0] =	ssyncadd.tile.s32 @!p0 $0x1;
	_ =	shalt  }
.Lfunc_end2:
_tile_overlayer_lowered:
.L_overlay_start_2:
0x85: {  	(tag) =	ssettag $0x2  }
0x86: {  	s0 =	rddreg [dreg:$0x0];
	s2 =	stileid.u32  }
0x87: {  	s1 =	rddreg [dreg:$0x1];
	p0 =	sne.s32 s2, $0x0  }
0x88: {  	s3 =	rddreg [dreg:$0x2];
	[bflag:$0x3] =	sbarrier.arrive $0xFFFF;
	s2 =	simm.s32 @!p0 $0x1C09  }
0x89: {  	[timem:s3], [sflag:s2] =	dma.local @!p0 [hbm:s0], s1  }
0x8a: {  	s0 =	simm.s32 @!p0 $0x9  }
0x8b: {  	_ =	swait.ge @!p0 [sflag:s0], s1  }
0x8c: {  	s1 =	ssub.s32 @!p0 $0x0, s1;
	[sflag:s0] =	ssyncset.done @!p0 $0x0  }
0x8d: {  	[sflag:s0] =	ssyncadd.s32 @!p0 s1  }
0x8e: {  	[bflag:$0x3] =	sbarrier.arrive $0xFFFF  }
0x8f: {  	_ =	shalt  }

// kernel: kernel.9.cloned.1.call-start
scs
__scs_entry_jumppad:
0x0: {  	(pc) =	sbr.rel $0x88, $3  }
0x1: {  	(tag) =	ssettag $0x0;
	lr =	simm.s32 $0x1  }
0x2: {  	[smem:$0x3F93] =	sst lr;
	_ =	strace $0xD0000000  }
0x3: {  	_ = 	snop  }
0x4: {  	_ = 	snop  }
0x5: {  	_ = 	snop  }
0x6: {  	_ = 	snop  }
0x7: {  	_ = 	snop  }
__scs_overlays_trampoline_lowered:
0x8: {  	[smem:$0x3FA2] =	sst s0  }
0x9: {  	[smem:$0x3FA3] =	sst s1  }
0xa: {  	[smem:$0x3FA4] =	sst s2  }
0xb: {  	[smem:$0x3FA5] =	sst s3  }
0xc: {  	[smem:$0x3FA6] =	sst s4  }
0xd: {  	[smem:$0x3FA7] =	sst s5  }
0xe: {  	[smem:$0x3FA8] =	sst s6  }
0xf: {  	[smem:$0x3FA9] =	sst s7  }
0x10: {  	[smem:$0x3FAA] =	sst s8  }
0x11: {  	[smem:$0x3FAB] =	sst s9;
	s0 =	simm.s32 @!p0 $0x0  }
0x12: {  	s1 =	sld [smem:$0x3F91];
	s0 =	simm.s32 @p0 $0x1  }
0x13: {  	[smem:$0x3FAC] =	sst s0;
	s0 =	simm.s32 @!p1 $0x0  }
0x14: {  	s2 =	sld [smem:$0x3F90];
	s0 =	simm.s32 @p1 $0x1  }
0x15: {  	[smem:$0x3FAD] =	sst s0;
	s0 =	simm.s32 @!p2 $0x0  }
0x16: {  	s3 =	sld [smem:$0x3FDB];
	s0 =	simm.s32 @p2 $0x1  }
0x17: {  	s4 =	simm.s32 $0x1BF5;
	[smem:$0x3FAF] =	sst s0  }
0x18: {  	s0 =	sld [smem:$0x3F92];
	_ =	swait.ge [sflag:s4], $0x0  }
0x19: {  	s7 =	sld [smem:$0x3F93]  }
0x1a: {  	s8 =	sadd.s32 $0xFFFFE003, lr  }
0x1b: {  	s9 =	sadd.s32 $0xFFFFFEF7, lr;
	s5 =	simm.s32 $0xFFFFFFFF;
	p2 =	slt.u32 s8, $0xFFFFF086  }
0x1c: {  	p1 =	slt.u32 s9, $0xF7A;
	s5 =	simm.s32 @!p2 $0x0  }
0x1d: {  	s5 =	simm.s32 @p1 $0x1;
	p0 =	seq.s32 s7, s2  }
0x1e: {  	s7 =	smul.u32 @!p0 $0xF7A, s2;
	p2 =	seq.s32 @!p0 s5, $0x0  }
0x1f: {  	s9 =	smul.u32 $0xF7A, s1;
	s8 =	simm.s32 @!p0 $0x1BF5;
	p2 =	por !p2, p0  }
0x20: {  	[sflag:s8] =	ssyncset.s32 @!p0 $0xFFFFF086;
	s6 =	sadd.s32 @!p0 s3, s7;
	s7 =	simm.s32 @!p0 $0x108  }
0x21: {  	s3 =	sadd.s32 s3, s9;
	s6 =	sadd.s32 @!p0 $0x88, s6;
	s7 =	simm.s32 @p2 $0x1082  }
0x22: {  	[simem:s7], [sflag:s8] =	dma.local @!p0 [hbm:s6], $0xF7A  }
0x23: {  	s9 =	sor.u32 $0xD0000000, s2;
	s6 =	simm.s32 $0x108;
	_ =	swait.ge @!p0 [sflag:s8], $0x0  }
0x24: {  	s3 =	sadd.s32 $0x88, s3;
	s6 =	simm.s32 @!p1 $0x1082;
	[sflag:s4] =	ssyncset.s32 $0xFFFFF086  }
0x25: {  	[simem:s6], [sflag:s4] =	dma.local [hbm:s3], $0xF7A  }
0x26: {  	[smem:$0x3F93] =	sst s1;
	(tag) =	ssettag s2;
	_ =	strace s9  }
0x27: {  	s1 =	sld [smem:$0x3FA3]  }
0x28: {  	s2 =	sld [smem:$0x3FA4]  }
0x29: {  	s4 =	sld [smem:$0x3FA6]  }
0x2a: {  	p0 =	seq.s32 s5, $0x0;
	s5 =	sld [smem:$0x3FA7]  }
0x2b: {  	s6 =	sld [smem:$0x3FA8]  }
0x2c: {  	s7 =	sld [smem:$0x3FA9]  }
0x2d: {  	s3 =	simm.s32 $0x108;
	s8 =	sld [smem:$0x3FAA]  }
0x2e: {  	s3 =	simm.s32 @!p0 $0x1082;
	s9 =	sld [smem:$0x3FAB]  }
0x2f: {  	lr =	sadd.s32 s0, s3;
	s0 =	sld [smem:$0x3FA2]  }
0x30: {  	s3 =	sld [smem:$0x3FA5]  }
0x31: {  	[smem:$0x3FAE] =	sst s10  }
0x32: {  	s10 =	sld [smem:$0x3FAC];
	_ =	sdelay $0x3  }
0x33: {  	p0 =	seq.s32 s10, $0x1;
	s10 =	sld [smem:$0x3FAE];
	_ =	sdelay $0x3  }
0x34: {  	[smem:$0x3FAE] =	sst s10  }
0x35: {  	s10 =	sld [smem:$0x3FAD];
	_ =	sdelay $0x3  }
0x36: {  	p1 =	seq.s32 s10, $0x1;
	s10 =	sld [smem:$0x3FAE];
	_ =	sdelay $0x3  }
0x37: {  	[smem:$0x3FAE] =	sst s10  }
0x38: {  	s10 =	sld [smem:$0x3FAF]  }
0x39: {  	_ = 	snop;
	(pc) =	sbr.ind lr, $3  }
0x3a: {  	_ = 	snop  }
0x3b: {  	_ = 	snop  }
0x3c: {  	p2 =	seq.s32 s10, $0x1;
	s10 =	sld [smem:$0x3FAE]  }
0x3d: {  	_ =	shalt  }
0x3e: {  	_ =	shalt  }
0x3f: {  	_ =	shalt  }
0x40: {  	_ =	shalt  }
0x41: {  	_ =	shalt  }
0x42: {  	_ =	shalt  }
0x43: {  	_ =	shalt  }
0x44: {  	_ =	shalt  }
0x45: {  	_ =	shalt  }
0x46: {  	_ =	shalt  }
0x47: {  	_ =	shalt  }
0x48: {  	_ =	shalt  }
0x49: {  	_ =	shalt  }
0x4a: {  	_ =	shalt  }
0x4b: {  	_ =	shalt  }
0x4c: {  	_ =	shalt  }
0x4d: {  	_ =	shalt  }
0x4e: {  	_ =	shalt  }
0x4f: {  	_ =	shalt  }
0x50: {  	_ =	shalt  }
0x51: {  	_ =	shalt  }
0x52: {  	_ =	shalt  }
0x53: {  	_ =	shalt  }
0x54: {  	_ =	shalt  }
0x55: {  	_ =	shalt  }
0x56: {  	_ =	shalt  }
0x57: {  	_ =	shalt  }
0x58: {  	_ =	shalt  }
0x59: {  	_ =	shalt  }
0x5a: {  	_ =	shalt  }
0x5b: {  	_ =	shalt  }
0x5c: {  	_ =	shalt  }
0x5d: {  	_ =	shalt  }
0x5e: {  	_ =	shalt  }
0x5f: {  	_ =	shalt  }
0x60: {  	_ =	shalt  }
0x61: {  	_ =	shalt  }
0x62: {  	_ =	shalt  }
0x63: {  	_ =	shalt  }
0x64: {  	_ =	shalt  }
0x65: {  	_ =	shalt  }
0x66: {  	_ =	shalt  }
0x67: {  	_ =	shalt  }
0x68: {  	_ =	shalt  }
0x69: {  	_ =	shalt  }
0x6a: {  	_ =	shalt  }
0x6b: {  	_ =	shalt  }
0x6c: {  	_ =	shalt  }
0x6d: {  	_ =	shalt  }
0x6e: {  	_ =	shalt  }
0x6f: {  	_ =	shalt  }
0x70: {  	_ =	shalt  }
0x71: {  	_ =	shalt  }
0x72: {  	_ =	shalt  }
0x73: {  	_ =	shalt  }
0x74: {  	_ =	shalt  }
0x75: {  	_ =	shalt  }
0x76: {  	_ =	shalt  }
0x77: {  	_ =	shalt  }
0x78: {  	_ =	shalt  }
0x79: {  	_ =	shalt  }
0x7a: {  	_ =	shalt  }
0x7b: {  	_ =	shalt  }
0x7c: {  	_ =	shalt  }
0x7d: {  	_ =	shalt  }
0x7e: {  	_ =	shalt  }
0x7f: {  	_ =	shalt  }
0x80: {  	_ =	shalt  }
0x81: {  	_ =	shalt  }
0x82: {  	_ =	shalt  }
0x83: {  	_ =	shalt  }
0x84: {  	_ =	shalt  }
0x85: {  	_ =	shalt  }
0x86: {  	_ =	shalt  }
0x87: {  	_ =	shalt  }
.Lfunc_end0:
.L_simem_size_0:
called_computation.1_lowered:
.L_overlay_start_0:
0x88: {  	s2 =	sld [smem:$0x3FD9]  }
0x89: {  	s3 =	sld [smem:$0x3FFE];
	_ =	sdelay $0x1  }
0x8a: {  	s1 =	srdreg.scid  }
0x8b: {  	s0 =	sand.u32 $0x1, s1  }
0x8c: {  	s16 =	sshll.u32 s0, $0xA;
	s2 =	sadd.s32 s3, s2  }
0x8d: {  	s2 =	sadd.s32 s2, s16  }
0x8e: {  	[smem:$0x3FBA] =	sst s2  }
0x8f: {  	_ = 	snop  }
0x90: {  	(tm) =	ssettm $0x1  }
0x91: {  	s17 =	sld [smem:$0x3FFB];
	_ =	sdelay $0x3  }
0x92: {  	_ =	strace s17  }
0x93: {  	s2 =	sld [smem:$0x3FFC];
	_ =	sdelay $0x3  }
0x94: {  	_ =	strace s2  }
0x95: {  	s2 =	sld [smem:$0x3FFD];
	_ =	sdelay $0x3  }
0x96: {  	_ =	strace s2  }
0x97: {  	_ =	strace $0x8FFFFFFF  }
0x98: {  	s18 =	sld [smem:$0x3FDB];
	_ =	sdelay $0x1  }
0x99: {  	s19 =	simm.s32 $_scs_section_size  }
0x9a: {  	s4 =	simm.s32 $_size__tile_overlayer_lowered;
	s5 =	simm.s32 $_tile_overlayer_lowered  }
0x9b: {  	s22 =	simm.s32 $0x1BFF;
	s21 =	sshll.u32 s5, $0x1;
	s2 =	sadd.s32 s19, s18  }
0x9c: {  	s6 =	simm.s32 $0x0;
	s20 =	sshll.u32 s4, $0x1;
	s4 =	sadd.s32 s21, s2  }
0x9d: {  	[timem:s6], [sflag:s22] =	dma.local [hbm:s4], s20  }
0x9e: {  	_ =	swait.ge [sflag:s22], s20  }
0x9f: {  	s3 =	ssub.s32 $0x0, s20;
	[sflag:s22] =	ssyncset.done $0x0  }
0xa0: {  	[sflag:s22] =	ssyncadd.s32 s3;
	_ =	sdelay $0x1  }
0xa1: {  	s23 =	simm.s32 $0x1B8B  }
0xa2: {  	_ =	swait.ge [sflag:s23], $0x1  }
0xa3: {  	[sflag:s23] =	ssyncset.done $0x0  }
0xa4: {  	s25 =	simm.s32 $0x1B8E;
	s24 =	sld [smem:$0x3FFE];
	[sflag:s23] =	ssyncadd.s32 $0xFFFFFFFF  }
0xa5: {  	s26 =	simm.s32 $execute0_lowered;
	[smem:$0x3FD2] =	sst s25  }
0xa6: {  	s4 =	sshll.u32 s26, $0x1;
	_ =	strace $0x80000049;
	[dreg:$0x1] =	wrdreg $0xFFFFFFFF  }
0xa7: {  	s28 =	simm.s32 $_size_execute0_lowered;
	s2 =	sadd.s32 s2, s4;
	[dreg:$0x0] =	wrdreg $0x0  }
0xa8: {  	s4 =	sshll.u32 s28, $0x1;
	[dreg:$0x2] =	wrdreg s2  }
0xa9: {  	[dreg:$0x3] =	wrdreg s4  }
0xaa: {  	[dreg:$0x4] =	wrdreg $0xC0  }
0xab: {  	_ =	task [dreg:s6], $0x5FFFF  }
0xac: {  	[dreg:$0x1] =	wrdreg $0xFFFFFFFF  }
0xad: {  	[dreg:$0x0] =	wrdreg $0x60  }
0xae: {  	[dreg:$0x2] =	wrdreg s24  }
0xaf: {  	[dreg:$0x3] =	wrdreg $0x14000  }
0xb0: {  	[dreg:$0x4] =	wrdreg $0x9  }
0xb1: {  	_ =	task.clear_ibuf [dreg:s6], $0x5FFFF;
	_ =	strace $0x90000049  }
0xb2: {  	s29 =	simm.s32 $0x9;
	_ =	strace $0x8000004B  }
0xb3: {  	_ =	swait.ge [sflag:s29], $0x1  }
0xb4: {  	[sflag:s29] =	ssyncadd.s32 $0xFFFFFFFF  }
0xb5: {  	_ =	strace $0x9000004B  }
0xb6: {  	_ =	sfence  }
0xb7: {  	s30 =	sld [smem:$0x0];
	_ =	sdelay $0x2  }
0xb8: {  	s31 =	sshll.u32 s1, $0xD;
	s1 =	sshrl.u32 s1, $0x2  }
0xb9: {  	s3 =	sand.u32 $0x4000, s31;
	s1 =	sadd.s32 s1, s30  }
0xba: {  	s0 =	sor.u32 s3, s0;
	s1 =	sshll.u32 s1, $0x11  }
0xbb: {  	s0 =	sor.u32 s1, s0  }
0xbc: {  	s0 =	sadd.s32 $0x8F2B, s0  }
0xbd: {  	[sflag:s0] =	ssyncadd.remote.s32 $0x1  }
0xbe: {  	_ =	sfence.sel $0xFFFF  }
0xbf: {  	[dreg:$0x0] =	wrdreg $0xFFFFFFFF;
	(pc) =	sbr.abs _section_cstart, $3  }
0xc0: {  	[dreg:$0x1] =	wrdreg $0xFFFFFFFF  }
0xc1: {  	_ =	task.clear_ibuf [dreg:s6], $0x2FFFF;
	_ =	strace $0x9FFFFFFF  }
0xc2: {  	(tm) =	ssettm $0x7FFFFFFF  }
0xc3: {  	_ =	shalt  }
tec
execute0_lowered:
.L_overlay_start_1:
0x0: {  	(tag) =	ssettag $0x1  }
0x1: {  	s0 =	srdreg.scid;
	s1 =	rddreg [dreg:$0x0]  }
0x2: {  	s12 =	stileid.u32;
	s2 =	rddreg [dreg:$0x1]  }
0x3: {  	s28 =	simm.s32 $0x4;
	s29 =	simm.s32 $0x5;
	s30 =	simm.s32 $0x6  }
0x4: {  	s31 =	simm.s32 $0x7;
	s0 =	sand.u32 $0x1, s0;
	s6 =	smul.u32 $0x2800, s12  }
0x5: {  	s3 =	sshll.u32 s12, $0x1;
	s8 =	sadd.s32 $0x1400, s1;
	s18 =	smul.u32 $0x28000, s12  }
0x6: {  	s19 =	sshll.u32 s12, $0x6;
	s4 =	sor.u32 s0, s3;
	s7 =	smul.u32 $0x28000, s0  }
0x7: {  	s3 =	simm.s32 $0x0;
	s10 =	ssub.s32 $0x2, s0;
	s0 =	smul.u32 $0x14000, s0  }
0x8: {  	s5 =	smul.u32 $0x280, s4;
	[smem:$0x7FF] =	sst s3;
	s15 =	sshrl.u32 s6, $0x3  }
0x9: {  	s11 =	sshrl.u32 s10, $0x1;
	s4 =	smul.u32 $0x2800, s4;
	s17 =	sadd.s32 s6, s2  }
0xa: {  	_ =	strace $0x8000004A;
	s7 =	sadd.s32 s6, s7;
	s16 =	ssub.s32 s10, s11  }
0xb: {  	s0 =	sadd.s32 s0, s18;
	s17 =	sshrl.u32 s17, $0x3;
	s18 =	simm.s32 $0x9  }
0xc: {  	s9 =	sadd.s32 s5, s1;
	s5 =	sadd.s32 s15, s1;
	s7 =	sshrl.u32 s7, $0x3  }
0xd: {  	s6 =	sadd.s32 s8, s4;
	s23 =	sor.u32 $0x3800, s0;
	s12 =	smax.u32 s16, $0x1  }
0xe: {  	s25 =	sor.u32 $0x3000, s0;
	s26 =	sor.u32 $0x2800, s0;
	s0 =	sor.u32 $0x2000, s0  }
0xf: {  	s1 =	sadd.s32 s7, s1;
	s5 =	sadd.s32 $0x51400, s5;
	s20 =	sadd.s32 $0x14B400, s9  }
0x10: {  	s21 =	sadd.s32 $0x100, s6;
	s22 =	sadd.s32 $0x200, s6;
	s10 =	sadd.s32 $0x300, s6  }
0x11: {  	s24 =	sshrl.u32 s23, $0x3;
	s4 =	sshrl.u32 s26, $0x3;
	[dreg:$0x3] =	wrdreg s5  }
0x12: {  	s0 =	sshrl.u32 s0, $0x3;
	s23 =	simm.s32 $0x1;
	[dreg:$0x4] =	wrdreg s20  }
0x13: {  	s26 =	simm.s32 $0x3;
	s5 =	sor.u32 $0x1C09, s19;
	[dreg:$0x5] =	wrdreg s21  }
0x14: {  	[dreg:$0x6] =	wrdreg s22;
	s11 =	sadd.s32 $0x56400, s1;
	s13 =	sadd.s32 s24, s8  }
0x15: {  	s1 =	sshrl.u32 s25, $0x3;
	s15 =	sadd.s32 s4, s8;
	s16 =	sadd.s32 s0, s8  }
0x16: {  	s19 =	simm.s32 $0x3C00;
	s20 =	simm.s32 $0x4400;
	s21 =	simm.s32 $0x4C00  }
0x17: {  	s22 =	simm.s32 $0x5400;
	s24 =	simm.s32 $0x80;
	s25 =	simm.s32 $0x2  }
0x18: {  	s0 =	simm.s32 $0x0;
	s14 =	sadd.s32 s1, s8;
	s1 =	simm.s32 $0x8  }
.LBB2_1:
0x19: {  	s4 =	rddreg [dreg:$0x3]  }
0x1a: {  	[spmem:s17], [sflag:s5] =	dma.local [hbm:s4], $0x500  }
0x1b: {  	_ =	swait.ge [sflag:s18], $0x500  }
0x1c: {  	[sflag:s18] =	ssyncset.done $0x0  }
0x1d: {  	s9 =	rddreg [dreg:$0x4];
	[sflag:s18] =	ssyncadd.s32 $0xFFFFFB00  }
0x1e: {  	[tilespmem:s3], [sflag:$0x9] =	stream.linear.gather [hbm4b:s9+s3], $0x1400, $0x38;
	[tilespmem:$0x5C00] =	vst v63  }
0x1f: {  	_ =	swait.ge [sflag:s18], $0x1400  }
0x20: {  	[sflag:s18] =	ssyncset.done $0x0  }
0x21: {  	[sflag:s18] =	ssyncadd.s32 $0xFFFFEC00  }
0x22: {  	[bflag:$0x0] =	sbarrier.arrive $0xFFFF  }
0x23: {  	[tilespmem:s19], [sflag:$0x1] =	stream.linear.gather [hbm4b:s6+s3], $0x800, $0x38;
	[tilespmem:$0x5C00] =	vst v63  }
0x24: {  	s7 =	rddreg [dreg:$0x5]  }
0x25: {  	[tilespmem:s20], [sflag:$0x2] =	stream.linear.gather [hbm4b:s7+s3], $0x800, $0x38;
	[tilespmem:$0x5C00] =	vst v63  }
0x26: {  	s8 =	rddreg [dreg:$0x6]  }
0x27: {  	[tilespmem:s21], [sflag:$0x3] =	stream.linear.gather [hbm4b:s8+s3], $0x800, $0x38;
	[tilespmem:$0x5C00] =	vst v63  }
0x28: {  	_ = 	snop  }
0x29: {  	[tilespmem:s22], [sflag:$0x4] =	stream.linear.gather [hbm4b:s10+s3], $0x800, $0x38;
	[tilespmem:$0x5C00] =	vst v63  }
0x2a: {  	_ =	swait.ge [sflag:s23], $0x800  }
0x2b: {  	[sflag:s23] =	ssyncset.done $0x0  }
0x2c: {  	s9 =	simm.s32 $0x0;
	[sflag:s23] =	ssyncadd.s32 $0xFFFFF800  }
0x2d: {  	[spmem:s2] =	stream.indirect.scatter.add.f32 [tilespmem:s19], [sflag:$0x5], $0x10, s9, s24, $0xb8;
	[tilespmem:$0x5C00] =	vst v63  }
0x2e: {  	_ =	swait.ge [sflag:s25], $0x800  }
0x2f: {  	[sflag:s25] =	ssyncset.done $0x0  }
0x30: {  	s7 =	simm.s32 $0x80;
	[sflag:s25] =	ssyncadd.s32 $0xFFFFF800  }
0x31: {  	[spmem:s2] =	stream.indirect.scatter.add.f32 [tilespmem:s20], [sflag:$0x6], $0x10, s7, s24, $0xb8;
	[tilespmem:$0x5C00] =	vst v63  }
0x32: {  	_ =	swait.ge [sflag:s26], $0x800  }
0x33: {  	[sflag:s26] =	ssyncset.done $0x0  }
0x34: {  	s8 =	simm.s32 $0x100;
	[sflag:s26] =	ssyncadd.s32 $0xFFFFF800  }
0x35: {  	[spmem:s2] =	stream.indirect.scatter.add.f32 [tilespmem:s21], [sflag:$0x7], $0x10, s8, s24, $0xb8;
	[tilespmem:$0x5C00] =	vst v63  }
0x36: {  	_ =	swait.ge [sflag:s28], $0x800  }
0x37: {  	[sflag:s28] =	ssyncset.done $0x0  }
0x38: {  	s9 =	simm.s32 $0x180;
	[sflag:s28] =	ssyncadd.s32 $0xFFFFF800  }
0x39: {  	[spmem:s2] =	stream.indirect.scatter.add.f32 [tilespmem:s22], [sflag:$0x8], $0x10, s9, s24, $0xb8;
	[tilespmem:$0x5C00] =	vst v63  }
0x3a: {  	_ =	swait.ge [sflag:s29], $0x800  }
0x3b: {  	[sflag:s29] =	ssyncset.done $0x0  }
0x3c: {  	s7 =	sadd.s32 $0x0, s16;
	[sflag:s29] =	ssyncadd.s32 $0xFFFFF800  }
0x3d: {  	[tilespmem:s19], [sflag:$0x1] =	stream.linear.gather [hbm4b:s7+s3], $0x800, $0x38;
	[tilespmem:$0x5C00] =	vst v63  }
0x3e: {  	_ =	swait.ge [sflag:s30], $0x800  }
0x3f: {  	[sflag:s30] =	ssyncset.done $0x0  }
0x40: {  	s8 =	sadd.s32 $0x0, s15;
	[sflag:s30] =	ssyncadd.s32 $0xFFFFF800  }
0x41: {  	[tilespmem:s20], [sflag:$0x2] =	stream.linear.gather [hbm4b:s8+s3], $0x800, $0x38;
	[tilespmem:$0x5C00] =	vst v63  }
0x42: {  	_ =	swait.ge [sflag:s31], $0x800  }
0x43: {  	[sflag:s31] =	ssyncset.done $0x0  }
0x44: {  	s9 =	sadd.s32 $0x0, s14;
	[sflag:s31] =	ssyncadd.s32 $0xFFFFF800  }
0x45: {  	[tilespmem:s21], [sflag:$0x3] =	stream.linear.gather [hbm4b:s9+s3], $0x800, $0x38;
	[tilespmem:$0x5C00] =	vst v63  }
0x46: {  	_ =	swait.ge [sflag:s1], $0x800  }
0x47: {  	s4 =	simm.s32 $0x400;
	[sflag:s1] =	ssyncset.done $0x0  }
0x48: {  	s7 =	simm.s32 $0x380;
	s8 =	sadd.s32 $0x0, s13;
	[sflag:s1] =	ssyncadd.s32 $0xFFFFF800  }
.LBB2_2:
0x49: {  	[tilespmem:s22], [sflag:$0x4] =	stream.linear.gather [hbm4b:s8+s3], $0x800, $0x38;
	[tilespmem:$0x5C00] =	vst v63  }
0x4a: {  	s8 =	smov.u32 s4  }
0x4b: {  	p0 =	sne.s32 s4, $0x2000;
	s4 =	sadd.s32 $0x400, s4;
	_ =	swait.ge [sflag:s23], $0x800  }
0x4c: {  	[sflag:s23] =	ssyncset.done $0x0  }
0x4d: {  	s9 =	sadd.s32 $0xFFFFFE80, s7;
	[sflag:s23] =	ssyncadd.s32 $0xFFFFF800  }
0x4e: {  	[spmem:s2] =	stream.indirect.scatter.add.f32 [tilespmem:s19], [sflag:$0x5], $0x10, s9, s24, $0xb8;
	[tilespmem:$0x5C00] =	vst v63  }
0x4f: {  	_ =	swait.ge [sflag:s25], $0x800  }
0x50: {  	[sflag:s25] =	ssyncset.done $0x0  }
0x51: {  	s9 =	sadd.s32 $0xFFFFFF00, s7;
	[sflag:s25] =	ssyncadd.s32 $0xFFFFF800  }
0x52: {  	[spmem:s2] =	stream.indirect.scatter.add.f32 [tilespmem:s20], [sflag:$0x6], $0x10, s9, s24, $0xb8;
	[tilespmem:$0x5C00] =	vst v63  }
0x53: {  	_ =	swait.ge [sflag:s26], $0x800  }
0x54: {  	[sflag:s26] =	ssyncset.done $0x0  }
0x55: {  	s9 =	sadd.s32 $0xFFFFFF80, s7;
	[sflag:s26] =	ssyncadd.s32 $0xFFFFF800  }
0x56: {  	[spmem:s2] =	stream.indirect.scatter.add.f32 [tilespmem:s21], [sflag:$0x7], $0x10, s9, s24, $0xb8;
	[tilespmem:$0x5C00] =	vst v63  }
0x57: {  	_ =	swait.ge [sflag:s28], $0x800  }
0x58: {  	[sflag:s28] =	ssyncset.done $0x0  }
0x59: {  	[sflag:s28] =	ssyncadd.s32 $0xFFFFF800  }
0x5a: {  	[spmem:s2] =	stream.indirect.scatter.add.f32 [tilespmem:s22], [sflag:$0x8], $0x10, s7, s24, $0xb8;
	[tilespmem:$0x5C00] =	vst v63  }
0x5b: {  	_ =	swait.ge [sflag:s29], $0x800  }
0x5c: {  	[sflag:s29] =	ssyncset.done $0x0  }
0x5d: {  	s9 =	sadd.s32 s8, s16;
	[sflag:s29] =	ssyncadd.s32 $0xFFFFF800  }
0x5e: {  	[tilespmem:s19], [sflag:$0x1] =	stream.linear.gather [hbm4b:s9+s3], $0x800, $0x38;
	[tilespmem:$0x5C00] =	vst v63  }
0x5f: {  	_ =	swait.ge [sflag:s30], $0x800  }
0x60: {  	[sflag:s30] =	ssyncset.done $0x0  }
0x61: {  	s9 =	sadd.s32 s8, s15;
	[sflag:s30] =	ssyncadd.s32 $0xFFFFF800  }
0x62: {  	[tilespmem:s20], [sflag:$0x2] =	stream.linear.gather [hbm4b:s9+s3], $0x800, $0x38;
	[tilespmem:$0x5C00] =	vst v63  }
0x63: {  	_ =	swait.ge [sflag:s31], $0x800  }
0x64: {  	[sflag:s31] =	ssyncset.done $0x0  }
.Ltmp0:
0x65: {  	s9 =	sadd.s32 s8, s14;
	[sflag:s31] =	ssyncadd.s32 $0xFFFFF800;
	(pc) =	sbr.rel @p0 .LBB2_2-.Ltmp0, $4  }
0x66: {  	[tilespmem:s21], [sflag:$0x3] =	stream.linear.gather [hbm4b:s9+s3], $0x800, $0x38;
	[tilespmem:$0x5C00] =	vst v63  }
0x67: {  	_ =	swait.ge [sflag:s1], $0x800  }
0x68: {  	[sflag:s1] =	ssyncset.done $0x0  }
0x69: {  	s7 =	sadd.s32 $0x200, s7;
	s8 =	sadd.s32 s8, s13;
	[sflag:s1] =	ssyncadd.s32 $0xFFFFF800  }
0x6a: {  	[tilespmem:s22], [sflag:$0x4] =	stream.linear.gather [hbm4b:s8+s3], $0x800, $0x38;
	[tilespmem:$0x5C00] =	vst v63  }
0x6b: {  	_ =	swait.ge [sflag:s23], $0x800  }
0x6c: {  	[sflag:s23] =	ssyncset.done $0x0  }
0x6d: {  	s4 =	simm.s32 $0x1200;
	[sflag:s23] =	ssyncadd.s32 $0xFFFFF800  }
0x6e: {  	[spmem:s2] =	stream.indirect.scatter.add.f32 [tilespmem:s19], [sflag:$0x5], $0x10, s4, s24, $0xb8;
	[tilespmem:$0x5C00] =	vst v63  }
0x6f: {  	_ =	swait.ge [sflag:s25], $0x800  }
0x70: {  	[sflag:s25] =	ssyncset.done $0x0  }
0x71: {  	s7 =	simm.s32 $0x1280;
	[sflag:s25] =	ssyncadd.s32 $0xFFFFF800  }
0x72: {  	[spmem:s2] =	stream.indirect.scatter.add.f32 [tilespmem:s20], [sflag:$0x6], $0x10, s7, s24, $0xb8;
	[tilespmem:$0x5C00] =	vst v63  }
0x73: {  	_ =	swait.ge [sflag:s26], $0x800  }
0x74: {  	[sflag:s26] =	ssyncset.done $0x0  }
0x75: {  	s8 =	simm.s32 $0x1300;
	[sflag:s26] =	ssyncadd.s32 $0xFFFFF800  }
0x76: {  	[spmem:s2] =	stream.indirect.scatter.add.f32 [tilespmem:s21], [sflag:$0x7], $0x10, s8, s24, $0xb8;
	[tilespmem:$0x5C00] =	vst v63  }
0x77: {  	_ =	swait.ge [sflag:s28], $0x800  }
0x78: {  	[sflag:s28] =	ssyncset.done $0x0  }
0x79: {  	s9 =	simm.s32 $0x1380;
	[sflag:s28] =	ssyncadd.s32 $0xFFFFF800  }
0x7a: {  	[spmem:s2] =	stream.indirect.scatter.add.f32 [tilespmem:s22], [sflag:$0x8], $0x10, s9, s24, $0xb8;
	[tilespmem:$0x5C00] =	vst v63  }
0x7b: {  	_ =	swait.ge [sflag:s29], $0x800  }
0x7c: {  	[sflag:s29] =	ssyncset.done $0x0  }
0x7d: {  	[sflag:s29] =	ssyncadd.s32 $0xFFFFF800  }
0x7e: {  	_ =	swait.ge [sflag:s30], $0x800  }
0x7f: {  	[sflag:s30] =	ssyncset.done $0x0  }
0x80: {  	[sflag:s30] =	ssyncadd.s32 $0xFFFFF800  }
0x81: {  	_ =	swait.ge [sflag:s31], $0x800  }
0x82: {  	[sflag:s31] =	ssyncset.done $0x0  }
0x83: {  	[sflag:s31] =	ssyncadd.s32 $0xFFFFF800  }
0x84: {  	_ =	swait.ge [sflag:s1], $0x800  }
0x85: {  	s0 =	sadd.s32 $0x1, s0;
	[sflag:s1] =	ssyncset.done $0x0  }
0x86: {  	p0 =	sne.s32 s0, s12;
	[sflag:s1] =	ssyncadd.s32 $0xFFFFF800  }
.Ltmp1:
0x87: {  	[bflag:$0x0] =	sbarrier.arrive $0xFFFF;
	(pc) =	sbr.rel @p0 .LBB2_1-.Ltmp1, $4  }
0x88: {  	[hbm:s11], [sflag:s5] =	dma.local [spmem:s17], $0x500  }
0x89: {  	_ =	swait.ge [sflag:s18], $0x500  }
0x8a: {  	[sflag:s18] =	ssyncset.done $0x0  }
0x8b: {  	[sflag:s18] =	ssyncadd.s32 $0xFFFFFB00  }
0x8c: {  	_ =	sfence.sel $0x180000  }
0x8d: {  	[bflag:$0x0] =	sbarrier.arrive $0xFFFF  }
0x8e: {  	_ =	strace $0x9000004A  }
0x8f: {  	s0 =	stileid.u32;
	[bflag:$0x2] =	sbarrier.arrive $0xFFFF  }
0x90: {  	p0 =	sne.s32 s0, $0x0;
	s0 =	rddreg [dreg:$0x2]  }
0x91: {  	s0 =	sadd.s32 @!p0 $0x100000, s0  }
0x92: {  	[sflag:s0] =	ssyncadd.tile.s32 @!p0 $0x1;
	_ =	shalt  }
.Lfunc_end2:
_tile_overlayer_lowered:
.L_overlay_start_2:
0x93: {  	(tag) =	ssettag $0x2  }
0x94: {  	s0 =	rddreg [dreg:$0x0];
	s2 =	stileid.u32  }
0x95: {  	s1 =	rddreg [dreg:$0x1];
	p0 =	sne.s32 s2, $0x0  }
0x96: {  	s3 =	rddreg [dreg:$0x2];
	[bflag:$0x3] =	sbarrier.arrive $0xFFFF;
	s2 =	simm.s32 @!p0 $0x1C09  }
0x97: {  	[timem:s3], [sflag:s2] =	dma.local @!p0 [hbm:s0], s1  }
0x98: {  	s0 =	simm.s32 @!p0 $0x9  }
0x99: {  	_ =	swait.ge @!p0 [sflag:s0], s1  }
0x9a: {  	s1 =	ssub.s32 @!p0 $0x0, s1;
	[sflag:s0] =	ssyncset.done @!p0 $0x0  }
0x9b: {  	[sflag:s0] =	ssyncadd.s32 @!p0 s1  }
0x9c: {  	[bflag:$0x3] =	sbarrier.arrive $0xFFFF  }
0x9d: {  	_ =	shalt  }

</sc_bundles>
